<compile_context>
chip_gen: v7x
topology: tpu7x:2x2x1
jax: 0.10.2.dev20260603
libtpu: 0.0.44.dev20260713+nightly
codegen_flags: <defaults>
</compile_context>

<pallas_src>
import functools

import jax
import jax.numpy as jnp
from jax import lax
from jax.experimental import pallas as pl
from jax.experimental.pallas import tpu as pltpu
from jax.experimental.pallas import tpu_sc as plsc

NUM_CAMERAS = 700000
CAMERA_COUNT = 6
SEQ_LEN = 100000
BOUNDARY = SEQ_LEN * CAMERA_COUNT
N_IDX = 1048576

NC, NS, L = 2, 16, 16
NW = NC * NS

EXT_SHIFT = 5
EXT_DIV = SEQ_LEN >> EXT_SHIFT
EXT_ROWS = 18752
T_ROWS = 118784
T_PER_W = T_ROWS // NW
T_GROUPS = T_PER_W // L
T_SRC = 100368
LID_ROWS = 3720
IN_ROWS = 8 + LID_ROWS

IDX_PER_W = N_IDX // NW
CHUNK = 2048
N_CHUNKS = IDX_PER_W // CHUNK
GATHER = 128
N_GATHER = CHUNK // GATHER


def _expmap_table_body(tang_hbm, table_hbm, in_v, out_v, sem):
    wid = lax.axis_index("s") * NC + lax.axis_index("c")
    base = wid * T_PER_W
    o_w = jnp.maximum(0, base - (EXT_ROWS - CAMERA_COUNT))
    o_al = (o_w >> 2) << 2
    o6 = pl.multiple_of(o_al * 6, 8)
    pltpu.sync_copy(tang_hbm.at[pl.ds(0, 48)], in_v.at[pl.ds(0, 48)])
    pltpu.sync_copy(tang_hbm.at[pl.ds(o6, LID_ROWS * 6)],
                    in_v.at[pl.ds(48, LID_ROWS * 6)])

    iota = lax.iota(jnp.int32, L)

    def group(g, _):
        rloc = iota + g * L
        rglob = rloc + base
        loc = jnp.where(rglob < EXT_ROWS, rglob // EXT_DIV,
                        rglob - (EXT_ROWS - CAMERA_COUNT) - o_al + 8)
        l6 = loc * 6
        c = [plsc.load_gather(in_v, [l6 + j]) for j in range(6)]
        tx, ty, tz, wx, wy, wz = c
        n = wx * wx + wy * wy + wz * wz
        u = jnp.maximum(n, 1e-4)
        f1 = 1.0 + u * (-1.0 / 6 + u * (1.0 / 120 + u * (-1.0 / 5040 + u * (1.0 / 362880))))
        f2 = 0.5 + u * (-1.0 / 24 + u * (1.0 / 720 + u * (-1.0 / 40320 + u * (1.0 / 3628800))))
        xy = f2 * wx * wy
        xz = f2 * wx * wz
        yz = f2 * wy * wz
        ax, ay, az = f1 * wx, f1 * wy, f1 * wz
        vals = (
            1.0 + f2 * (wx * wx - n), xy - az, xz + ay, tx,
            xy + az, 1.0 + f2 * (wy * wy - n), yz - ax, ty,
            xz - ay, yz + ax, 1.0 + f2 * (wz * wz - n), tz,
        )
        r16 = rloc * 16
        for j, val in enumerate(vals):
            plsc.store_scatter(out_v, [r16 + j], val)
        return 0

    lax.fori_loop(0, T_GROUPS, group, 0)
    pltpu.sync_copy(out_v, table_hbm.at[pl.ds(base * 16, T_PER_W * 16)])


def _gather_body(idx_hbm, table_hbm, out_hbm, idxraw_v, midx_v, rows_v, sem):
    cid = lax.axis_index("c")
    sid = lax.axis_index("s")
    wid = sid * NC + cid

    def chunk_body(ci, _):
        base = wid * IDX_PER_W + ci * CHUNK
        pltpu.sync_copy(idx_hbm.at[pl.ds(base, CHUNK)], idxraw_v)

        def map_group(g, _):
            v = idxraw_v[pl.ds(g * L, L)]
            row = jnp.where(v < BOUNDARY, v >> EXT_SHIFT,
                            v - (BOUNDARY - EXT_ROWS))
            midx_v[pl.ds(g * L, L)] = row
            return 0

        lax.fori_loop(0, CHUNK // L, map_group, 0)

        cps = [pltpu.async_copy(
            table_hbm.at[midx_v.at[pl.ds(j * GATHER, GATHER)]],
            rows_v.at[pl.ds(j * GATHER, GATHER)], sem)
            for j in range(N_GATHER)]
        for cp in cps:
            cp.wait()
        pltpu.sync_copy(rows_v, out_hbm.at[pl.ds(base, CHUNK)])
        return 0

    lax.fori_loop(0, N_CHUNKS, chunk_body, 0)


_MESH = plsc.VectorSubcoreMesh(core_axis_name="c", subcore_axis_name="s")
_PARAMS = pltpu.CompilerParams(needs_layout_passes=False,
                               use_tc_tiling_on_sc=False)

_expmap_table = functools.partial(
    pl.kernel,
    out_type=jax.ShapeDtypeStruct((T_ROWS * 16,), jnp.float32),
    mesh=_MESH,
    compiler_params=_PARAMS,
    scratch_types=[
        pltpu.VMEM((IN_ROWS * 6,), jnp.float32),
        pltpu.VMEM((T_PER_W * 16,), jnp.float32),
        pltpu.SemaphoreType.DMA,
    ],
)(_expmap_table_body)

_gather = functools.partial(
    pl.kernel,
    out_type=jax.ShapeDtypeStruct((N_IDX, 16), jnp.float32),
    mesh=_MESH,
    compiler_params=_PARAMS,
    scratch_types=[
        pltpu.VMEM((CHUNK,), jnp.int32),
        pltpu.VMEM((CHUNK,), jnp.int32),
        pltpu.VMEM((CHUNK, 16), jnp.float32),
        pltpu.SemaphoreType.DMA,
    ],
)(_gather_body)


def kernel(indices, ext_adjustment, lidar_adjustment):
    tang = jnp.concatenate(
        [ext_adjustment, lidar_adjustment,
         jnp.zeros((T_SRC - CAMERA_COUNT - SEQ_LEN, 6), ext_adjustment.dtype)],
        axis=0).reshape(T_SRC * 6)
    table = _expmap_table(tang).reshape(T_ROWS, 16)
    out = _gather(indices.astype(jnp.int32), table)
    return out[:, :12].reshape(N_IDX, 3, 4)

# --- scband reference (transcript-rebuilt; emitter-appended) ---
"""Pipeline reference for scband-camera-optimizer-21801253995186 (READ-ONLY COPY).

The authoritative reference and input builder live on the scoring server;
editing this copy changes nothing except your own understanding.
"""

import jax, jax.numpy as jnp
import numpy as np

NUM_CAMERAS = 700000
CAMERA_COUNT = 6
SEQ_LEN = NUM_CAMERAS // (CAMERA_COUNT + 1)  # 100000
N_IDX = 1048576


def exp_map_SO3xR3(tangent):
    # tangent: [N, 6]; first 3 translation, last 3 so(3) log-rotation (nerfstudio convention)
    log_rot = tangent[:, 3:]
    nrms = jnp.sum(log_rot * log_rot, axis=1)
    rot_angles = jnp.sqrt(jnp.clip(nrms, 1e-4))
    rot_angles_inv = 1.0 / rot_angles
    fac1 = rot_angles_inv * jnp.sin(rot_angles)
    fac2 = (rot_angles_inv ** 2) * (1.0 - jnp.cos(rot_angles))
    zeros = jnp.zeros_like(rot_angles)
    wx, wy, wz = log_rot[:, 0], log_rot[:, 1], log_rot[:, 2]
    skews = jnp.stack([
        jnp.stack([zeros, -wz, wy], axis=1),
        jnp.stack([wz, zeros, -wx], axis=1),
        jnp.stack([-wy, wx, zeros], axis=1),
    ], axis=1)
    skews_square = jnp.matmul(skews, skews)
    R = (fac1[:, None, None] * skews
         + fac2[:, None, None] * skews_square
         + jnp.eye(3, dtype=tangent.dtype)[None])
    ret = jnp.concatenate([R, tangent[:, :3][:, :, None]], axis=2)  # [N, 3, 4]
    return ret


def setup_inputs(seed: int = 0) -> dict:
    key = jax.random.key(seed)
    k1, k2, k3 = jax.random.split(key, 3)
    indices = jax.random.randint(k1, (N_IDX,), 0, NUM_CAMERAS)
    # learned pose-adjustment tables (initialized small-random so exp-map is nontrivial)
    ext_adjustment = jax.random.normal(k2, (CAMERA_COUNT, 6), dtype=jnp.float32) * 0.01
    lidar_adjustment = jax.random.normal(k3, (SEQ_LEN, 6), dtype=jnp.float32) * 0.01
    return {"indices": indices, "ext_adjustment": ext_adjustment, "lidar_adjustment": lidar_adjustment}


def reference(indices, ext_adjustment, lidar_adjustment):
    boundary = SEQ_LEN * CAMERA_COUNT
    mask_ext = indices < boundary
    mask_lidar = ~mask_ext
    output = jnp.zeros((indices.shape[0], 3, 4), dtype=ext_adjustment.dtype)
    # lidar path: gather lidar adjustments, exp-map, scatter-write under mask
    lidar_idx = jnp.where(mask_lidar, indices - boundary, 0)
    lidar_inputs = jnp.take(lidar_adjustment, lidar_idx, axis=0)
    mapped_lidar = exp_map_SO3xR3(lidar_inputs)
    output = jnp.where(mask_lidar[:, None, None], mapped_lidar, output)
    # extrinsic path: gather per-camera adjustments, exp-map, scatter-write under mask
    ext_indices = jnp.where(mask_ext, indices // SEQ_LEN, 0)
    ext_inputs = jnp.take(ext_adjustment, ext_indices, axis=0)
    ext_adj = exp_map_SO3xR3(ext_inputs)
    output = jnp.where(mask_ext[:, None, None], ext_adj, output)
    return output

if __name__ == "__main__":
    import jax
    _d = setup_inputs()
    print(jax.jit(kernel)(*tuple(_d.values())))

</pallas_src>

<mosaic_0001>
#map = affine_map<(d0, d1) -> (0)>
#map1 = affine_map<(d0, d1) -> (0, 0)>
module attributes {stable_mosaic.version = 14 : i64} {
  func.func @_gather_body(%arg0: i32, %arg1: i32, %arg2: memref<1048576xi32, #tpu.memory_space<hbm>>, %arg3: memref<118784x16xf32, #tpu.memory_space<hbm>>, %arg4: memref<1048576x16xf32, #tpu.memory_space<hbm>>, %arg5: memref<2048xi32, #tpu.memory_space<vmem>>, %arg6: memref<2048xi32, #tpu.memory_space<vmem>>, %arg7: memref<2048x16xf32, #tpu.memory_space<vmem>>, %arg8: memref<!tpu.dma_semaphore, #tpu.memory_space<semaphore_mem>>) attributes {dimension_semantics = [#tpu.dimension_semantics<core_parallel>, #tpu.dimension_semantics<subcore_parallel>], iteration_bounds = array<i64: 2, 16>, scalar_prefetch = 0 : i64, scratch_operands = 4 : i64, tpu.core_type = #tpu.core_type<sc_vector_subcore>, window_params = [{transform_indices = #map}, {transform_indices = #map1}, {transform_indices = #map1}]} {
    %mul3A = arith.constant 2 : i32
    %mul3A_0 = arith.muli %arg1, %mul3A : i32
    %add3A = arith.addi %mul3A_0, %arg0 : i32
    %scan3A = arith.constant 0 : i32
    %scan3A_1 = arith.constant 0 : i32
    %scan3A_2 = arith.constant 16 : i32
    %scan3A_3 = arith.addi %scan3A_1, %scan3A_2 : i32
    %scan3A_4 = arith.constant 1 : i32
    %scan3A_5 = scf.for %scan3A_7 = %scan3A_1 to %scan3A_3 step %scan3A_4 iter_args(%scan3A_8 = %scan3A) -> (i32)  : i32 {
      %mul3A_9 = arith.constant 32768 : i32
      %mul3A_10 = arith.muli %add3A, %mul3A_9 : i32
      %mul3A_11 = arith.constant 2048 : i32
      %mul3A_12 = arith.muli %scan3A_7, %mul3A_11 : i32
      %add3A_13 = arith.addi %mul3A_10, %mul3A_12 : i32
      "tpu.region"() ({
        %run_scoped3A = tpu.sem_alloc : memref<!tpu.dma_semaphore, #tpu.memory_space<semaphore_mem>>
        %dma_start3A_276 = tpu.memref_slice %arg2[%add3A_13] : memref<1048576xi32, #tpu.memory_space<hbm>> -> memref<2048xi32, #tpu.memory_space<hbm>>
        %dma_start3A_277 = tpu.memref_slice %arg2[%add3A_13] : memref<1048576xi32, #tpu.memory_space<hbm>> -> memref<2048xi32, #tpu.memory_space<hbm>>
        tpu.enqueue_dma source(%dma_start3A_277 : memref<2048xi32, #tpu.memory_space<hbm>>) target(%arg5 : memref<2048xi32, #tpu.memory_space<vmem>>) target_semaphore(%run_scoped3A : memref<!tpu.dma_semaphore, #tpu.memory_space<semaphore_mem>>)
        %dma_wait3A_278 = tpu.memref_slice %arg2[%add3A_13] : memref<1048576xi32, #tpu.memory_space<hbm>> -> memref<2048xi32, #tpu.memory_space<hbm>>
        %dma_wait3A_279 = tpu.memref_slice %arg2[%add3A_13] : memref<1048576xi32, #tpu.memory_space<hbm>> -> memref<2048xi32, #tpu.memory_space<hbm>>
        tpu.wait_dma2 semaphore(%run_scoped3A : memref<!tpu.dma_semaphore, #tpu.memory_space<semaphore_mem>>) src(%dma_wait3A_279 : memref<2048xi32, #tpu.memory_space<hbm>>) dst(%arg5 : memref<2048xi32, #tpu.memory_space<vmem>>)
        tpu.yield
      }) : () -> ()
      %scan3A_14 = arith.constant 0 : i32
      %scan3A_15 = arith.constant 0 : i32
      %scan3A_16 = arith.constant 128 : i32
      %scan3A_17 = arith.addi %scan3A_15, %scan3A_16 : i32
      %scan3A_18 = arith.constant 1 : i32
      %scan3A_19 = scf.for %scan3A_276 = %scan3A_15 to %scan3A_17 step %scan3A_18 iter_args(%scan3A_277 = %scan3A_14) -> (i32)  : i32 {
        %mul3A_278 = arith.constant 16 : i32
        %mul3A_279 = arith.muli %scan3A_276, %mul3A_278 : i32
        %get3A = arith.index_cast %mul3A_279 : i32 to index
        %get3A_280 = tpu.vector_load %arg5[%get3A] {strides = array<i32>} : memref<2048xi32, #tpu.memory_space<vmem>>, vector<16xi32>,
        %lt3A = arith.constant 600000 : i32
        %lt3A_281 = vector.broadcast %lt3A : i32 to vector<16xi32>
        %lt3A_282 = arith.cmpi slt, %get3A_280, %lt3A_281 : vector<16xi32>
        %shift_right_arithmetic3A = arith.constant 5 : i32
        %shift_right_arithmetic3A_283 = vector.broadcast %shift_right_arithmetic3A : i32 to vector<16xi32>
        %shift_right_arithmetic3A_284 = arith.shrsi %get3A_280, %shift_right_arithmetic3A_283 : vector<16xi32>
        %sub3A = arith.constant 581248 : i32
        %sub3A_285 = vector.broadcast %sub3A : i32 to vector<16xi32>
        %sub3A_286 = arith.subi %get3A_280, %sub3A_285 : vector<16xi32>
        %select_n3A = arith.select %lt3A_282, %shift_right_arithmetic3A_284, %sub3A_286 : vector<16xi1>, vector<16xi32>
        %mul3A_287 = arith.constant 16 : i32
        %mul3A_288 = arith.muli %scan3A_276, %mul3A_287 : i32
        %swap3A = arith.index_cast %mul3A_288 : i32 to index
        %swap3A_289 = tpu.vector_load %arg6[%swap3A] {strides = array<i32>} : memref<2048xi32, #tpu.memory_space<vmem>>, vector<16xi32>,
        tpu.vector_store %arg6[%swap3A], %select_n3A {strides = array<i32>} : memref<2048xi32, #tpu.memory_space<vmem>>, vector<16xi32>,
        %scan3A_290 = arith.constant 0 : i32
        scf.yield %scan3A_290 : i32
      }
      %scan3A_20 = arith.constant 128 : i32
      %dma_start3A = arith.constant 0 : i32
      %dma_start3A_21 = arith.constant 0 : i32
      %dma_start3A_22 = tpu.memref_slice %arg7[%dma_start3A, %dma_start3A_21] : memref<2048x16xf32, #tpu.memory_space<vmem>> -> memref<128x16xf32, #tpu.memory_space<vmem>>
      %dma_start3A_23 = arith.constant 0 : i32
      %dma_start3A_24 = tpu.memref_slice %arg6[%dma_start3A_23] : memref<2048xi32, #tpu.memory_space<vmem>> -> memref<128xi32, #tpu.memory_space<vmem>>
      %dma_start3A_25 = arith.constant 0 : i32
      %dma_start3A_26 = arith.constant 0 : i32
      %dma_start3A_27 = tpu.memref_slice %arg3[%dma_start3A_25, %dma_start3A_26] : memref<118784x16xf32, #tpu.memory_space<hbm>> -> memref<118784x16xf32, #tpu.memory_space<hbm>>
      tpu.enqueue_indirect_dma source(%dma_start3A_27 : memref<118784x16xf32, #tpu.memory_space<hbm>>) target(%dma_start3A_22 : memref<128x16xf32, #tpu.memory_space<vmem>>) offsets(%dma_start3A_24 : memref<128xi32, #tpu.memory_space<vmem>>) semaphore(%arg8 : memref<!tpu.dma_semaphore, #tpu.memory_space<semaphore_mem>>)
      %dma_start3A_28 = arith.constant 128 : i32
      %dma_start3A_29 = arith.constant 0 : i32
      %dma_start3A_30 = tpu.memref_slice %arg7[%dma_start3A_28, %dma_start3A_29] : memref<2048x16xf32, #tpu.memory_space<vmem>> -> memref<128x16xf32, #tpu.memory_space<vmem>>
      %dma_start3A_31 = arith.constant 128 : i32
      %dma_start3A_32 = tpu.memref_slice %arg6[%dma_start3A_31] : memref<2048xi32, #tpu.memory_space<vmem>> -> memref<128xi32, #tpu.memory_space<vmem>>
      %dma_start3A_33 = arith.constant 0 : i32
      %dma_start3A_34 = arith.constant 0 : i32
      %dma_start3A_35 = tpu.memref_slice %arg3[%dma_start3A_33, %dma_start3A_34] : memref<118784x16xf32, #tpu.memory_space<hbm>> -> memref<118784x16xf32, #tpu.memory_space<hbm>>
      tpu.enqueue_indirect_dma source(%dma_start3A_35 : memref<118784x16xf32, #tpu.memory_space<hbm>>) target(%dma_start3A_30 : memref<128x16xf32, #tpu.memory_space<vmem>>) offsets(%dma_start3A_32 : memref<128xi32, #tpu.memory_space<vmem>>) semaphore(%arg8 : memref<!tpu.dma_semaphore, #tpu.memory_space<semaphore_mem>>)
      %dma_start3A_36 = arith.constant 256 : i32
      %dma_start3A_37 = arith.constant 0 : i32
      %dma_start3A_38 = tpu.memref_slice %arg7[%dma_start3A_36, %dma_start3A_37] : memref<2048x16xf32, #tpu.memory_space<vmem>> -> memref<128x16xf32, #tpu.memory_space<vmem>>
      %dma_start3A_39 = arith.constant 256 : i32
      %dma_start3A_40 = tpu.memref_slice %arg6[%dma_start3A_39] : memref<2048xi32, #tpu.memory_space<vmem>> -> memref<128xi32, #tpu.memory_space<vmem>>
      %dma_start3A_41 = arith.constant 0 : i32
      %dma_start3A_42 = arith.constant 0 : i32
      %dma_start3A_43 = tpu.memref_slice %arg3[%dma_start3A_41, %dma_start3A_42] : memref<118784x16xf32, #tpu.memory_space<hbm>> -> memref<118784x16xf32, #tpu.memory_space<hbm>>
      tpu.enqueue_indirect_dma source(%dma_start3A_43 : memref<118784x16xf32, #tpu.memory_space<hbm>>) target(%dma_start3A_38 : memref<128x16xf32, #tpu.memory_space<vmem>>) offsets(%dma_start3A_40 : memref<128xi32, #tpu.memory_space<vmem>>) semaphore(%arg8 : memref<!tpu.dma_semaphore, #tpu.memory_space<semaphore_mem>>)
      %dma_start3A_44 = arith.constant 384 : i32
      %dma_start3A_45 = arith.constant 0 : i32
      %dma_start3A_46 = tpu.memref_slice %arg7[%dma_start3A_44, %dma_start3A_45] : memref<2048x16xf32, #tpu.memory_space<vmem>> -> memref<128x16xf32, #tpu.memory_space<vmem>>
      %dma_start3A_47 = arith.constant 384 : i32
      %dma_start3A_48 = tpu.memref_slice %arg6[%dma_start3A_47] : memref<2048xi32, #tpu.memory_space<vmem>> -> memref<128xi32, #tpu.memory_space<vmem>>
      %dma_start3A_49 = arith.constant 0 : i32
      %dma_start3A_50 = arith.constant 0 : i32
      %dma_start3A_51 = tpu.memref_slice %arg3[%dma_start3A_49, %dma_start3A_50] : memref<118784x16xf32, #tpu.memory_space<hbm>> -> memref<118784x16xf32, #tpu.memory_space<hbm>>
      tpu.enqueue_indirect_dma source(%dma_start3A_51 : memref<118784x16xf32, #tpu.memory_space<hbm>>) target(%dma_start3A_46 : memref<128x16xf32, #tpu.memory_space<vmem>>) offsets(%dma_start3A_48 : memref<128xi32, #tpu.memory_space<vmem>>) semaphore(%arg8 : memref<!tpu.dma_semaphore, #tpu.memory_space<semaphore_mem>>)
      %dma_start3A_52 = arith.constant 512 : i32
      %dma_start3A_53 = arith.constant 0 : i32
      %dma_start3A_54 = tpu.memref_slice %arg7[%dma_start3A_52, %dma_start3A_53] : memref<2048x16xf32, #tpu.memory_space<vmem>> -> memref<128x16xf32, #tpu.memory_space<vmem>>
      %dma_start3A_55 = arith.constant 512 : i32
      %dma_start3A_56 = tpu.memref_slice %arg6[%dma_start3A_55] : memref<2048xi32, #tpu.memory_space<vmem>> -> memref<128xi32, #tpu.memory_space<vmem>>
      %dma_start3A_57 = arith.constant 0 : i32
      %dma_start3A_58 = arith.constant 0 : i32
      %dma_start3A_59 = tpu.memref_slice %arg3[%dma_start3A_57, %dma_start3A_58] : memref<118784x16xf32, #tpu.memory_space<hbm>> -> memref<118784x16xf32, #tpu.memory_space<hbm>>
      tpu.enqueue_indirect_dma source(%dma_start3A_59 : memref<118784x16xf32, #tpu.memory_space<hbm>>) target(%dma_start3A_54 : memref<128x16xf32, #tpu.memory_space<vmem>>) offsets(%dma_start3A_56 : memref<128xi32, #tpu.memory_space<vmem>>) semaphore(%arg8 : memref<!tpu.dma_semaphore, #tpu.memory_space<semaphore_mem>>)
      %dma_start3A_60 = arith.constant 640 : i32
      %dma_start3A_61 = arith.constant 0 : i32
      %dma_start3A_62 = tpu.memref_slice %arg7[%dma_start3A_60, %dma_start3A_61] : memref<2048x16xf32, #tpu.memory_space<vmem>> -> memref<128x16xf32, #tpu.memory_space<vmem>>
      %dma_start3A_63 = arith.constant 640 : i32
      %dma_start3A_64 = tpu.memref_slice %arg6[%dma_start3A_63] : memref<2048xi32, #tpu.memory_space<vmem>> -> memref<128xi32, #tpu.memory_space<vmem>>
      %dma_start3A_65 = arith.constant 0 : i32
      %dma_start3A_66 = arith.constant 0 : i32
      %dma_start3A_67 = tpu.memref_slice %arg3[%dma_start3A_65, %dma_start3A_66] : memref<118784x16xf32, #tpu.memory_space<hbm>> -> memref<118784x16xf32, #tpu.memory_space<hbm>>
      tpu.enqueue_indirect_dma source(%dma_start3A_67 : memref<118784x16xf32, #tpu.memory_space<hbm>>) target(%dma_start3A_62 : memref<128x16xf32, #tpu.memory_space<vmem>>) offsets(%dma_start3A_64 : memref<128xi32, #tpu.memory_space<vmem>>) semaphore(%arg8 : memref<!tpu.dma_semaphore, #tpu.memory_space<semaphore_mem>>)
      %dma_start3A_68 = arith.constant 768 : i32
      %dma_start3A_69 = arith.constant 0 : i32
      %dma_start3A_70 = tpu.memref_slice %arg7[%dma_start3A_68, %dma_start3A_69] : memref<2048x16xf32, #tpu.memory_space<vmem>> -> memref<128x16xf32, #tpu.memory_space<vmem>>
      %dma_start3A_71 = arith.constant 768 : i32
      %dma_start3A_72 = tpu.memref_slice %arg6[%dma_start3A_71] : memref<2048xi32, #tpu.memory_space<vmem>> -> memref<128xi32, #tpu.memory_space<vmem>>
      %dma_start3A_73 = arith.constant 0 : i32
      %dma_start3A_74 = arith.constant 0 : i32
      %dma_start3A_75 = tpu.memref_slice %arg3[%dma_start3A_73, %dma_start3A_74] : memref<118784x16xf32, #tpu.memory_space<hbm>> -> memref<118784x16xf32, #tpu.memory_space<hbm>>
      tpu.enqueue_indirect_dma source(%dma_start3A_75 : memref<118784x16xf32, #tpu.memory_space<hbm>>) target(%dma_start3A_70 : memref<128x16xf32, #tpu.memory_space<vmem>>) offsets(%dma_start3A_72 : memref<128xi32, #tpu.memory_space<vmem>>) semaphore(%arg8 : memref<!tpu.dma_semaphore, #tpu.memory_space<semaphore_mem>>)
      %dma_start3A_76 = arith.constant 896 : i32
      %dma_start3A_77 = arith.constant 0 : i32
      %dma_start3A_78 = tpu.memref_slice %arg7[%dma_start3A_76, %dma_start3A_77] : memref<2048x16xf32, #tpu.memory_space<vmem>> -> memref<128x16xf32, #tpu.memory_space<vmem>>
      %dma_start3A_79 = arith.constant 896 : i32
      %dma_start3A_80 = tpu.memref_slice %arg6[%dma_start3A_79] : memref<2048xi32, #tpu.memory_space<vmem>> -> memref<128xi32, #tpu.memory_space<vmem>>
      %dma_start3A_81 = arith.constant 0 : i32
      %dma_start3A_82 = arith.constant 0 : i32
      %dma_start3A_83 = tpu.memref_slice %arg3[%dma_start3A_81, %dma_start3A_82] : memref<118784x16xf32, #tpu.memory_space<hbm>> -> memref<118784x16xf32, #tpu.memory_space<hbm>>
      tpu.enqueue_indirect_dma source(%dma_start3A_83 : memref<118784x16xf32, #tpu.memory_space<hbm>>) target(%dma_start3A_78 : memref<128x16xf32, #tpu.memory_space<vmem>>) offsets(%dma_start3A_80 : memref<128xi32, #tpu.memory_space<vmem>>) semaphore(%arg8 : memref<!tpu.dma_semaphore, #tpu.memory_space<semaphore_mem>>)
      %dma_start3A_84 = arith.constant 1024 : i32
      %dma_start3A_85 = arith.constant 0 : i32
      %dma_start3A_86 = tpu.memref_slice %arg7[%dma_start3A_84, %dma_start3A_85] : memref<2048x16xf32, #tpu.memory_space<vmem>> -> memref<128x16xf32, #tpu.memory_space<vmem>>
      %dma_start3A_87 = arith.constant 1024 : i32
      %dma_start3A_88 = tpu.memref_slice %arg6[%dma_start3A_87] : memref<2048xi32, #tpu.memory_space<vmem>> -> memref<128xi32, #tpu.memory_space<vmem>>
      %dma_start3A_89 = arith.constant 0 : i32
      %dma_start3A_90 = arith.constant 0 : i32
      %dma_start3A_91 = tpu.memref_slice %arg3[%dma_start3A_89, %dma_start3A_90] : memref<118784x16xf32, #tpu.memory_space<hbm>> -> memref<118784x16xf32, #tpu.memory_space<hbm>>
      tpu.enqueue_indirect_dma source(%dma_start3A_91 : memref<118784x16xf32, #tpu.memory_space<hbm>>) target(%dma_start3A_86 : memref<128x16xf32, #tpu.memory_space<vmem>>) offsets(%dma_start3A_88 : memref<128xi32, #tpu.memory_space<vmem>>) semaphore(%arg8 : memref<!tpu.dma_semaphore, #tpu.memory_space<semaphore_mem>>)
      %dma_start3A_92 = arith.constant 1152 : i32
      %dma_start3A_93 = arith.constant 0 : i32
      %dma_start3A_94 = tpu.memref_slice %arg7[%dma_start3A_92, %dma_start3A_93] : memref<2048x16xf32, #tpu.memory_space<vmem>> -> memref<128x16xf32, #tpu.memory_space<vmem>>
      %dma_start3A_95 = arith.constant 1152 : i32
      %dma_start3A_96 = tpu.memref_slice %arg6[%dma_start3A_95] : memref<2048xi32, #tpu.memory_space<vmem>> -> memref<128xi32, #tpu.memory_space<vmem>>
      %dma_start3A_97 = arith.constant 0 : i32
      %dma_start3A_98 = arith.constant 0 : i32
      %dma_start3A_99 = tpu.memref_slice %arg3[%dma_start3A_97, %dma_start3A_98] : memref<118784x16xf32, #tpu.memory_space<hbm>> -> memref<118784x16xf32, #tpu.memory_space<hbm>>
      tpu.enqueue_indirect_dma source(%dma_start3A_99 : memref<118784x16xf32, #tpu.memory_space<hbm>>) target(%dma_start3A_94 : memref<128x16xf32, #tpu.memory_space<vmem>>) offsets(%dma_start3A_96 : memref<128xi32, #tpu.memory_space<vmem>>) semaphore(%arg8 : memref<!tpu.dma_semaphore, #tpu.memory_space<semaphore_mem>>)
      %dma_start3A_100 = arith.constant 1280 : i32
      %dma_start3A_101 = arith.constant 0 : i32
      %dma_start3A_102 = tpu.memref_slice %arg7[%dma_start3A_100, %dma_start3A_101] : memref<2048x16xf32, #tpu.memory_space<vmem>> -> memref<128x16xf32, #tpu.memory_space<vmem>>
      %dma_start3A_103 = arith.constant 1280 : i32
      %dma_start3A_104 = tpu.memref_slice %arg6[%dma_start3A_103] : memref<2048xi32, #tpu.memory_space<vmem>> -> memref<128xi32, #tpu.memory_space<vmem>>
      %dma_start3A_105 = arith.constant 0 : i32
      %dma_start3A_106 = arith.constant 0 : i32
      %dma_start3A_107 = tpu.memref_slice %arg3[%dma_start3A_105, %dma_start3A_106] : memref<118784x16xf32, #tpu.memory_space<hbm>> -> memref<118784x16xf32, #tpu.memory_space<hbm>>
      tpu.enqueue_indirect_dma source(%dma_start3A_107 : memref<118784x16xf32, #tpu.memory_space<hbm>>) target(%dma_start3A_102 : memref<128x16xf32, #tpu.memory_space<vmem>>) offsets(%dma_start3A_104 : memref<128xi32, #tpu.memory_space<vmem>>) semaphore(%arg8 : memref<!tpu.dma_semaphore, #tpu.memory_space<semaphore_mem>>)
      %dma_start3A_108 = arith.constant 1408 : i32
      %dma_start3A_109 = arith.constant 0 : i32
      %dma_start3A_110 = tpu.memref_slice %arg7[%dma_start3A_108, %dma_start3A_109] : memref<2048x16xf32, #tpu.memory_space<vmem>> -> memref<128x16xf32, #tpu.memory_space<vmem>>
      %dma_start3A_111 = arith.constant 1408 : i32
      %dma_start3A_112 = tpu.memref_slice %arg6[%dma_start3A_111] : memref<2048xi32, #tpu.memory_space<vmem>> -> memref<128xi32, #tpu.memory_space<vmem>>
      %dma_start3A_113 = arith.constant 0 : i32
      %dma_start3A_114 = arith.constant 0 : i32
      %dma_start3A_115 = tpu.memref_slice %arg3[%dma_start3A_113, %dma_start3A_114] : memref<118784x16xf32, #tpu.memory_space<hbm>> -> memref<118784x16xf32, #tpu.memory_space<hbm>>
      tpu.enqueue_indirect_dma source(%dma_start3A_115 : memref<118784x16xf32, #tpu.memory_space<hbm>>) target(%dma_start3A_110 : memref<128x16xf32, #tpu.memory_space<vmem>>) offsets(%dma_start3A_112 : memref<128xi32, #tpu.memory_space<vmem>>) semaphore(%arg8 : memref<!tpu.dma_semaphore, #tpu.memory_space<semaphore_mem>>)
      %dma_start3A_116 = arith.constant 1536 : i32
      %dma_start3A_117 = arith.constant 0 : i32
      %dma_start3A_118 = tpu.memref_slice %arg7[%dma_start3A_116, %dma_start3A_117] : memref<2048x16xf32, #tpu.memory_space<vmem>> -> memref<128x16xf32, #tpu.memory_space<vmem>>
      %dma_start3A_119 = arith.constant 1536 : i32
      %dma_start3A_120 = tpu.memref_slice %arg6[%dma_start3A_119] : memref<2048xi32, #tpu.memory_space<vmem>> -> memref<128xi32, #tpu.memory_space<vmem>>
      %dma_start3A_121 = arith.constant 0 : i32
      %dma_start3A_122 = arith.constant 0 : i32
      %dma_start3A_123 = tpu.memref_slice %arg3[%dma_start3A_121, %dma_start3A_122] : memref<118784x16xf32, #tpu.memory_space<hbm>> -> memref<118784x16xf32, #tpu.memory_space<hbm>>
      tpu.enqueue_indirect_dma source(%dma_start3A_123 : memref<118784x16xf32, #tpu.memory_space<hbm>>) target(%dma_start3A_118 : memref<128x16xf32, #tpu.memory_space<vmem>>) offsets(%dma_start3A_120 : memref<128xi32, #tpu.memory_space<vmem>>) semaphore(%arg8 : memref<!tpu.dma_semaphore, #tpu.memory_space<semaphore_mem>>)
      %dma_start3A_124 = arith.constant 1664 : i32
      %dma_start3A_125 = arith.constant 0 : i32
      %dma_start3A_126 = tpu.memref_slice %arg7[%dma_start3A_124, %dma_start3A_125] : memref<2048x16xf32, #tpu.memory_space<vmem>> -> memref<128x16xf32, #tpu.memory_space<vmem>>
      %dma_start3A_127 = arith.constant 1664 : i32
      %dma_start3A_128 = tpu.memref_slice %arg6[%dma_start3A_127] : memref<2048xi32, #tpu.memory_space<vmem>> -> memref<128xi32, #tpu.memory_space<vmem>>
      %dma_start3A_129 = arith.constant 0 : i32
      %dma_start3A_130 = arith.constant 0 : i32
      %dma_start3A_131 = tpu.memref_slice %arg3[%dma_start3A_129, %dma_start3A_130] : memref<118784x16xf32, #tpu.memory_space<hbm>> -> memref<118784x16xf32, #tpu.memory_space<hbm>>
      tpu.enqueue_indirect_dma source(%dma_start3A_131 : memref<118784x16xf32, #tpu.memory_space<hbm>>) target(%dma_start3A_126 : memref<128x16xf32, #tpu.memory_space<vmem>>) offsets(%dma_start3A_128 : memref<128xi32, #tpu.memory_space<vmem>>) semaphore(%arg8 : memref<!tpu.dma_semaphore, #tpu.memory_space<semaphore_mem>>)
      %dma_start3A_132 = arith.constant 1792 : i32
      %dma_start3A_133 = arith.constant 0 : i32
      %dma_start3A_134 = tpu.memref_slice %arg7[%dma_start3A_132, %dma_start3A_133] : memref<2048x16xf32, #tpu.memory_space<vmem>> -> memref<128x16xf32, #tpu.memory_space<vmem>>
      %dma_start3A_135 = arith.constant 1792 : i32
      %dma_start3A_136 = tpu.memref_slice %arg6[%dma_start3A_135] : memref<2048xi32, #tpu.memory_space<vmem>> -> memref<128xi32, #tpu.memory_space<vmem>>
      %dma_start3A_137 = arith.constant 0 : i32
      %dma_start3A_138 = arith.constant 0 : i32
      %dma_start3A_139 = tpu.memref_slice %arg3[%dma_start3A_137, %dma_start3A_138] : memref<118784x16xf32, #tpu.memory_space<hbm>> -> memref<118784x16xf32, #tpu.memory_space<hbm>>
      tpu.enqueue_indirect_dma source(%dma_start3A_139 : memref<118784x16xf32, #tpu.memory_space<hbm>>) target(%dma_start3A_134 : memref<128x16xf32, #tpu.memory_space<vmem>>) offsets(%dma_start3A_136 : memref<128xi32, #tpu.memory_space<vmem>>) semaphore(%arg8 : memref<!tpu.dma_semaphore, #tpu.memory_space<semaphore_mem>>)
      %dma_start3A_140 = arith.constant 1920 : i32
      %dma_start3A_141 = arith.constant 0 : i32
      %dma_start3A_142 = tpu.memref_slice %arg7[%dma_start3A_140, %dma_start3A_141] : memref<2048x16xf32, #tpu.memory_space<vmem>> -> memref<128x16xf32, #tpu.memory_space<vmem>>
      %dma_start3A_143 = arith.constant 1920 : i32
      %dma_start3A_144 = tpu.memref_slice %arg6[%dma_start3A_143] : memref<2048xi32, #tpu.memory_space<vmem>> -> memref<128xi32, #tpu.memory_space<vmem>>
      %dma_start3A_145 = arith.constant 0 : i32
      %dma_start3A_146 = arith.constant 0 : i32
      %dma_start3A_147 = tpu.memref_slice %arg3[%dma_start3A_145, %dma_start3A_146] : memref<118784x16xf32, #tpu.memory_space<hbm>> -> memref<118784x16xf32, #tpu.memory_space<hbm>>
      tpu.enqueue_indirect_dma source(%dma_start3A_147 : memref<118784x16xf32, #tpu.memory_space<hbm>>) target(%dma_start3A_142 : memref<128x16xf32, #tpu.memory_space<vmem>>) offsets(%dma_start3A_144 : memref<128xi32, #tpu.memory_space<vmem>>) semaphore(%arg8 : memref<!tpu.dma_semaphore, #tpu.memory_space<semaphore_mem>>)
      %dma_wait3A = arith.constant 0 : i32
      %dma_wait3A_148 = arith.constant 0 : i32
      %dma_wait3A_149 = tpu.memref_slice %arg7[%dma_wait3A, %dma_wait3A_148] : memref<2048x16xf32, #tpu.memory_space<vmem>> -> memref<128x16xf32, #tpu.memory_space<vmem>>
      %dma_wait3A_150 = arith.constant 0 : i32
      %dma_wait3A_151 = tpu.memref_slice %arg6[%dma_wait3A_150] : memref<2048xi32, #tpu.memory_space<vmem>> -> memref<128xi32, #tpu.memory_space<vmem>>
      %dma_wait3A_152 = arith.constant 0 : i32
      %dma_wait3A_153 = arith.constant 0 : i32
      %dma_wait3A_154 = tpu.memref_slice %arg3[%dma_wait3A_152, %dma_wait3A_153] : memref<118784x16xf32, #tpu.memory_space<hbm>> -> memref<118784x16xf32, #tpu.memory_space<hbm>>
      tpu.wait_indirect_dma semaphore(%arg8 : memref<!tpu.dma_semaphore, #tpu.memory_space<semaphore_mem>>) src(%dma_wait3A_154 : memref<118784x16xf32, #tpu.memory_space<hbm>>) dst(%dma_wait3A_149 : memref<128x16xf32, #tpu.memory_space<vmem>>)
      %dma_wait3A_155 = arith.constant 128 : i32
      %dma_wait3A_156 = arith.constant 0 : i32
      %dma_wait3A_157 = tpu.memref_slice %arg7[%dma_wait3A_155, %dma_wait3A_156] : memref<2048x16xf32, #tpu.memory_space<vmem>> -> memref<128x16xf32, #tpu.memory_space<vmem>>
      %dma_wait3A_158 = arith.constant 128 : i32
      %dma_wait3A_159 = tpu.memref_slice %arg6[%dma_wait3A_158] : memref<2048xi32, #tpu.memory_space<vmem>> -> memref<128xi32, #tpu.memory_space<vmem>>
      %dma_wait3A_160 = arith.constant 0 : i32
      %dma_wait3A_161 = arith.constant 0 : i32
      %dma_wait3A_162 = tpu.memref_slice %arg3[%dma_wait3A_160, %dma_wait3A_161] : memref<118784x16xf32, #tpu.memory_space<hbm>> -> memref<118784x16xf32, #tpu.memory_space<hbm>>
      tpu.wait_indirect_dma semaphore(%arg8 : memref<!tpu.dma_semaphore, #tpu.memory_space<semaphore_mem>>) src(%dma_wait3A_162 : memref<118784x16xf32, #tpu.memory_space<hbm>>) dst(%dma_wait3A_157 : memref<128x16xf32, #tpu.memory_space<vmem>>)
      %dma_wait3A_163 = arith.constant 256 : i32
      %dma_wait3A_164 = arith.constant 0 : i32
      %dma_wait3A_165 = tpu.memref_slice %arg7[%dma_wait3A_163, %dma_wait3A_164] : memref<2048x16xf32, #tpu.memory_space<vmem>> -> memref<128x16xf32, #tpu.memory_space<vmem>>
      %dma_wait3A_166 = arith.constant 256 : i32
      %dma_wait3A_167 = tpu.memref_slice %arg6[%dma_wait3A_166] : memref<2048xi32, #tpu.memory_space<vmem>> -> memref<128xi32, #tpu.memory_space<vmem>>
      %dma_wait3A_168 = arith.constant 0 : i32
      %dma_wait3A_169 = arith.constant 0 : i32
      %dma_wait3A_170 = tpu.memref_slice %arg3[%dma_wait3A_168, %dma_wait3A_169] : memref<118784x16xf32, #tpu.memory_space<hbm>> -> memref<118784x16xf32, #tpu.memory_space<hbm>>
      tpu.wait_indirect_dma semaphore(%arg8 : memref<!tpu.dma_semaphore, #tpu.memory_space<semaphore_mem>>) src(%dma_wait3A_170 : memref<118784x16xf32, #tpu.memory_space<hbm>>) dst(%dma_wait3A_165 : memref<128x16xf32, #tpu.memory_space<vmem>>)
      %dma_wait3A_171 = arith.constant 384 : i32
      %dma_wait3A_172 = arith.constant 0 : i32
      %dma_wait3A_173 = tpu.memref_slice %arg7[%dma_wait3A_171, %dma_wait3A_172] : memref<2048x16xf32, #tpu.memory_space<vmem>> -> memref<128x16xf32, #tpu.memory_space<vmem>>
      %dma_wait3A_174 = arith.constant 384 : i32
      %dma_wait3A_175 = tpu.memref_slice %arg6[%dma_wait3A_174] : memref<2048xi32, #tpu.memory_space<vmem>> -> memref<128xi32, #tpu.memory_space<vmem>>
      %dma_wait3A_176 = arith.constant 0 : i32
      %dma_wait3A_177 = arith.constant 0 : i32
      %dma_wait3A_178 = tpu.memref_slice %arg3[%dma_wait3A_176, %dma_wait3A_177] : memref<118784x16xf32, #tpu.memory_space<hbm>> -> memref<118784x16xf32, #tpu.memory_space<hbm>>
      tpu.wait_indirect_dma semaphore(%arg8 : memref<!tpu.dma_semaphore, #tpu.memory_space<semaphore_mem>>) src(%dma_wait3A_178 : memref<118784x16xf32, #tpu.memory_space<hbm>>) dst(%dma_wait3A_173 : memref<128x16xf32, #tpu.memory_space<vmem>>)
      %dma_wait3A_179 = arith.constant 512 : i32
      %dma_wait3A_180 = arith.constant 0 : i32
      %dma_wait3A_181 = tpu.memref_slice %arg7[%dma_wait3A_179, %dma_wait3A_180] : memref<2048x16xf32, #tpu.memory_space<vmem>> -> memref<128x16xf32, #tpu.memory_space<vmem>>
      %dma_wait3A_182 = arith.constant 512 : i32
      %dma_wait3A_183 = tpu.memref_slice %arg6[%dma_wait3A_182] : memref<2048xi32, #tpu.memory_space<vmem>> -> memref<128xi32, #tpu.memory_space<vmem>>
      %dma_wait3A_184 = arith.constant 0 : i32
      %dma_wait3A_185 = arith.constant 0 : i32
      %dma_wait3A_186 = tpu.memref_slice %arg3[%dma_wait3A_184, %dma_wait3A_185] : memref<118784x16xf32, #tpu.memory_space<hbm>> -> memref<118784x16xf32, #tpu.memory_space<hbm>>
      tpu.wait_indirect_dma semaphore(%arg8 : memref<!tpu.dma_semaphore, #tpu.memory_space<semaphore_mem>>) src(%dma_wait3A_186 : memref<118784x16xf32, #tpu.memory_space<hbm>>) dst(%dma_wait3A_181 : memref<128x16xf32, #tpu.memory_space<vmem>>)
      %dma_wait3A_187 = arith.constant 640 : i32
      %dma_wait3A_188 = arith.constant 0 : i32
      %dma_wait3A_189 = tpu.memref_slice %arg7[%dma_wait3A_187, %dma_wait3A_188] : memref<2048x16xf32, #tpu.memory_space<vmem>> -> memref<128x16xf32, #tpu.memory_space<vmem>>
      %dma_wait3A_190 = arith.constant 640 : i32
      %dma_wait3A_191 = tpu.memref_slice %arg6[%dma_wait3A_190] : memref<2048xi32, #tpu.memory_space<vmem>> -> memref<128xi32, #tpu.memory_space<vmem>>
      %dma_wait3A_192 = arith.constant 0 : i32
      %dma_wait3A_193 = arith.constant 0 : i32
      %dma_wait3A_194 = tpu.memref_slice %arg3[%dma_wait3A_192, %dma_wait3A_193] : memref<118784x16xf32, #tpu.memory_space<hbm>> -> memref<118784x16xf32, #tpu.memory_space<hbm>>
      tpu.wait_indirect_dma semaphore(%arg8 : memref<!tpu.dma_semaphore, #tpu.memory_space<semaphore_mem>>) src(%dma_wait3A_194 : memref<118784x16xf32, #tpu.memory_space<hbm>>) dst(%dma_wait3A_189 : memref<128x16xf32, #tpu.memory_space<vmem>>)
      %dma_wait3A_195 = arith.constant 768 : i32
      %dma_wait3A_196 = arith.constant 0 : i32
      %dma_wait3A_197 = tpu.memref_slice %arg7[%dma_wait3A_195, %dma_wait3A_196] : memref<2048x16xf32, #tpu.memory_space<vmem>> -> memref<128x16xf32, #tpu.memory_space<vmem>>
      %dma_wait3A_198 = arith.constant 768 : i32
      %dma_wait3A_199 = tpu.memref_slice %arg6[%dma_wait3A_198] : memref<2048xi32, #tpu.memory_space<vmem>> -> memref<128xi32, #tpu.memory_space<vmem>>
      %dma_wait3A_200 = arith.constant 0 : i32
      %dma_wait3A_201 = arith.constant 0 : i32
      %dma_wait3A_202 = tpu.memref_slice %arg3[%dma_wait3A_200, %dma_wait3A_201] : memref<118784x16xf32, #tpu.memory_space<hbm>> -> memref<118784x16xf32, #tpu.memory_space<hbm>>
      tpu.wait_indirect_dma semaphore(%arg8 : memref<!tpu.dma_semaphore, #tpu.memory_space<semaphore_mem>>) src(%dma_wait3A_202 : memref<118784x16xf32, #tpu.memory_space<hbm>>) dst(%dma_wait3A_197 : memref<128x16xf32, #tpu.memory_space<vmem>>)
      %dma_wait3A_203 = arith.constant 896 : i32
      %dma_wait3A_204 = arith.constant 0 : i32
      %dma_wait3A_205 = tpu.memref_slice %arg7[%dma_wait3A_203, %dma_wait3A_204] : memref<2048x16xf32, #tpu.memory_space<vmem>> -> memref<128x16xf32, #tpu.memory_space<vmem>>
      %dma_wait3A_206 = arith.constant 896 : i32
      %dma_wait3A_207 = tpu.memref_slice %arg6[%dma_wait3A_206] : memref<2048xi32, #tpu.memory_space<vmem>> -> memref<128xi32, #tpu.memory_space<vmem>>
      %dma_wait3A_208 = arith.constant 0 : i32
      %dma_wait3A_209 = arith.constant 0 : i32
      %dma_wait3A_210 = tpu.memref_slice %arg3[%dma_wait3A_208, %dma_wait3A_209] : memref<118784x16xf32, #tpu.memory_space<hbm>> -> memref<118784x16xf32, #tpu.memory_space<hbm>>
      tpu.wait_indirect_dma semaphore(%arg8 : memref<!tpu.dma_semaphore, #tpu.memory_space<semaphore_mem>>) src(%dma_wait3A_210 : memref<118784x16xf32, #tpu.memory_space<hbm>>) dst(%dma_wait3A_205 : memref<128x16xf32, #tpu.memory_space<vmem>>)
      %dma_wait3A_211 = arith.constant 1024 : i32
      %dma_wait3A_212 = arith.constant 0 : i32
      %dma_wait3A_213 = tpu.memref_slice %arg7[%dma_wait3A_211, %dma_wait3A_212] : memref<2048x16xf32, #tpu.memory_space<vmem>> -> memref<128x16xf32, #tpu.memory_space<vmem>>
      %dma_wait3A_214 = arith.constant 1024 : i32
      %dma_wait3A_215 = tpu.memref_slice %arg6[%dma_wait3A_214] : memref<2048xi32, #tpu.memory_space<vmem>> -> memref<128xi32, #tpu.memory_space<vmem>>
      %dma_wait3A_216 = arith.constant 0 : i32
      %dma_wait3A_217 = arith.constant 0 : i32
      %dma_wait3A_218 = tpu.memref_slice %arg3[%dma_wait3A_216, %dma_wait3A_217] : memref<118784x16xf32, #tpu.memory_space<hbm>> -> memref<118784x16xf32, #tpu.memory_space<hbm>>
      tpu.wait_indirect_dma semaphore(%arg8 : memref<!tpu.dma_semaphore, #tpu.memory_space<semaphore_mem>>) src(%dma_wait3A_218 : memref<118784x16xf32, #tpu.memory_space<hbm>>) dst(%dma_wait3A_213 : memref<128x16xf32, #tpu.memory_space<vmem>>)
      %dma_wait3A_219 = arith.constant 1152 : i32
      %dma_wait3A_220 = arith.constant 0 : i32
      %dma_wait3A_221 = tpu.memref_slice %arg7[%dma_wait3A_219, %dma_wait3A_220] : memref<2048x16xf32, #tpu.memory_space<vmem>> -> memref<128x16xf32, #tpu.memory_space<vmem>>
      %dma_wait3A_222 = arith.constant 1152 : i32
      %dma_wait3A_223 = tpu.memref_slice %arg6[%dma_wait3A_222] : memref<2048xi32, #tpu.memory_space<vmem>> -> memref<128xi32, #tpu.memory_space<vmem>>
      %dma_wait3A_224 = arith.constant 0 : i32
      %dma_wait3A_225 = arith.constant 0 : i32
      %dma_wait3A_226 = tpu.memref_slice %arg3[%dma_wait3A_224, %dma_wait3A_225] : memref<118784x16xf32, #tpu.memory_space<hbm>> -> memref<118784x16xf32, #tpu.memory_space<hbm>>
      tpu.wait_indirect_dma semaphore(%arg8 : memref<!tpu.dma_semaphore, #tpu.memory_space<semaphore_mem>>) src(%dma_wait3A_226 : memref<118784x16xf32, #tpu.memory_space<hbm>>) dst(%dma_wait3A_221 : memref<128x16xf32, #tpu.memory_space<vmem>>)
      %dma_wait3A_227 = arith.constant 1280 : i32
      %dma_wait3A_228 = arith.constant 0 : i32
      %dma_wait3A_229 = tpu.memref_slice %arg7[%dma_wait3A_227, %dma_wait3A_228] : memref<2048x16xf32, #tpu.memory_space<vmem>> -> memref<128x16xf32, #tpu.memory_space<vmem>>
      %dma_wait3A_230 = arith.constant 1280 : i32
      %dma_wait3A_231 = tpu.memref_slice %arg6[%dma_wait3A_230] : memref<2048xi32, #tpu.memory_space<vmem>> -> memref<128xi32, #tpu.memory_space<vmem>>
      %dma_wait3A_232 = arith.constant 0 : i32
      %dma_wait3A_233 = arith.constant 0 : i32
      %dma_wait3A_234 = tpu.memref_slice %arg3[%dma_wait3A_232, %dma_wait3A_233] : memref<118784x16xf32, #tpu.memory_space<hbm>> -> memref<118784x16xf32, #tpu.memory_space<hbm>>
      tpu.wait_indirect_dma semaphore(%arg8 : memref<!tpu.dma_semaphore, #tpu.memory_space<semaphore_mem>>) src(%dma_wait3A_234 : memref<118784x16xf32, #tpu.memory_space<hbm>>) dst(%dma_wait3A_229 : memref<128x16xf32, #tpu.memory_space<vmem>>)
      %dma_wait3A_235 = arith.constant 1408 : i32
      %dma_wait3A_236 = arith.constant 0 : i32
      %dma_wait3A_237 = tpu.memref_slice %arg7[%dma_wait3A_235, %dma_wait3A_236] : memref<2048x16xf32, #tpu.memory_space<vmem>> -> memref<128x16xf32, #tpu.memory_space<vmem>>
      %dma_wait3A_238 = arith.constant 1408 : i32
      %dma_wait3A_239 = tpu.memref_slice %arg6[%dma_wait3A_238] : memref<2048xi32, #tpu.memory_space<vmem>> -> memref<128xi32, #tpu.memory_space<vmem>>
      %dma_wait3A_240 = arith.constant 0 : i32
      %dma_wait3A_241 = arith.constant 0 : i32
      %dma_wait3A_242 = tpu.memref_slice %arg3[%dma_wait3A_240, %dma_wait3A_241] : memref<118784x16xf32, #tpu.memory_space<hbm>> -> memref<118784x16xf32, #tpu.memory_space<hbm>>
      tpu.wait_indirect_dma semaphore(%arg8 : memref<!tpu.dma_semaphore, #tpu.memory_space<semaphore_mem>>) src(%dma_wait3A_242 : memref<118784x16xf32, #tpu.memory_space<hbm>>) dst(%dma_wait3A_237 : memref<128x16xf32, #tpu.memory_space<vmem>>)
      %dma_wait3A_243 = arith.constant 1536 : i32
      %dma_wait3A_244 = arith.constant 0 : i32
      %dma_wait3A_245 = tpu.memref_slice %arg7[%dma_wait3A_243, %dma_wait3A_244] : memref<2048x16xf32, #tpu.memory_space<vmem>> -> memref<128x16xf32, #tpu.memory_space<vmem>>
      %dma_wait3A_246 = arith.constant 1536 : i32
      %dma_wait3A_247 = tpu.memref_slice %arg6[%dma_wait3A_246] : memref<2048xi32, #tpu.memory_space<vmem>> -> memref<128xi32, #tpu.memory_space<vmem>>
      %dma_wait3A_248 = arith.constant 0 : i32
      %dma_wait3A_249 = arith.constant 0 : i32
      %dma_wait3A_250 = tpu.memref_slice %arg3[%dma_wait3A_248, %dma_wait3A_249] : memref<118784x16xf32, #tpu.memory_space<hbm>> -> memref<118784x16xf32, #tpu.memory_space<hbm>>
      tpu.wait_indirect_dma semaphore(%arg8 : memref<!tpu.dma_semaphore, #tpu.memory_space<semaphore_mem>>) src(%dma_wait3A_250 : memref<118784x16xf32, #tpu.memory_space<hbm>>) dst(%dma_wait3A_245 : memref<128x16xf32, #tpu.memory_space<vmem>>)
      %dma_wait3A_251 = arith.constant 1664 : i32
      %dma_wait3A_252 = arith.constant 0 : i32
      %dma_wait3A_253 = tpu.memref_slice %arg7[%dma_wait3A_251, %dma_wait3A_252] : memref<2048x16xf32, #tpu.memory_space<vmem>> -> memref<128x16xf32, #tpu.memory_space<vmem>>
      %dma_wait3A_254 = arith.constant 1664 : i32
      %dma_wait3A_255 = tpu.memref_slice %arg6[%dma_wait3A_254] : memref<2048xi32, #tpu.memory_space<vmem>> -> memref<128xi32, #tpu.memory_space<vmem>>
      %dma_wait3A_256 = arith.constant 0 : i32
      %dma_wait3A_257 = arith.constant 0 : i32
      %dma_wait3A_258 = tpu.memref_slice %arg3[%dma_wait3A_256, %dma_wait3A_257] : memref<118784x16xf32, #tpu.memory_space<hbm>> -> memref<118784x16xf32, #tpu.memory_space<hbm>>
      tpu.wait_indirect_dma semaphore(%arg8 : memref<!tpu.dma_semaphore, #tpu.memory_space<semaphore_mem>>) src(%dma_wait3A_258 : memref<118784x16xf32, #tpu.memory_space<hbm>>) dst(%dma_wait3A_253 : memref<128x16xf32, #tpu.memory_space<vmem>>)
      %dma_wait3A_259 = arith.constant 1792 : i32
      %dma_wait3A_260 = arith.constant 0 : i32
      %dma_wait3A_261 = tpu.memref_slice %arg7[%dma_wait3A_259, %dma_wait3A_260] : memref<2048x16xf32, #tpu.memory_space<vmem>> -> memref<128x16xf32, #tpu.memory_space<vmem>>
      %dma_wait3A_262 = arith.constant 1792 : i32
      %dma_wait3A_263 = tpu.memref_slice %arg6[%dma_wait3A_262] : memref<2048xi32, #tpu.memory_space<vmem>> -> memref<128xi32, #tpu.memory_space<vmem>>
      %dma_wait3A_264 = arith.constant 0 : i32
      %dma_wait3A_265 = arith.constant 0 : i32
      %dma_wait3A_266 = tpu.memref_slice %arg3[%dma_wait3A_264, %dma_wait3A_265] : memref<118784x16xf32, #tpu.memory_space<hbm>> -> memref<118784x16xf32, #tpu.memory_space<hbm>>
      tpu.wait_indirect_dma semaphore(%arg8 : memref<!tpu.dma_semaphore, #tpu.memory_space<semaphore_mem>>) src(%dma_wait3A_266 : memref<118784x16xf32, #tpu.memory_space<hbm>>) dst(%dma_wait3A_261 : memref<128x16xf32, #tpu.memory_space<vmem>>)
      %dma_wait3A_267 = arith.constant 1920 : i32
      %dma_wait3A_268 = arith.constant 0 : i32
      %dma_wait3A_269 = tpu.memref_slice %arg7[%dma_wait3A_267, %dma_wait3A_268] : memref<2048x16xf32, #tpu.memory_space<vmem>> -> memref<128x16xf32, #tpu.memory_space<vmem>>
      %dma_wait3A_270 = arith.constant 1920 : i32
      %dma_wait3A_271 = tpu.memref_slice %arg6[%dma_wait3A_270] : memref<2048xi32, #tpu.memory_space<vmem>> -> memref<128xi32, #tpu.memory_space<vmem>>
      %dma_wait3A_272 = arith.constant 0 : i32
      %dma_wait3A_273 = arith.constant 0 : i32
      %dma_wait3A_274 = tpu.memref_slice %arg3[%dma_wait3A_272, %dma_wait3A_273] : memref<118784x16xf32, #tpu.memory_space<hbm>> -> memref<118784x16xf32, #tpu.memory_space<hbm>>
      tpu.wait_indirect_dma semaphore(%arg8 : memref<!tpu.dma_semaphore, #tpu.memory_space<semaphore_mem>>) src(%dma_wait3A_274 : memref<118784x16xf32, #tpu.memory_space<hbm>>) dst(%dma_wait3A_269 : memref<128x16xf32, #tpu.memory_space<vmem>>)
      "tpu.region"() ({
        %run_scoped3A = tpu.sem_alloc : memref<!tpu.dma_semaphore, #tpu.memory_space<semaphore_mem>>
        %dma_start3A_276 = arith.constant 0 : i32
        %dma_start3A_277 = tpu.memref_slice %arg4[%add3A_13, %dma_start3A_276] : memref<1048576x16xf32, #tpu.memory_space<hbm>> -> memref<2048x16xf32, #tpu.memory_space<hbm>>
        %dma_start3A_278 = arith.constant 0 : i32
        %dma_start3A_279 = tpu.memref_slice %arg4[%add3A_13, %dma_start3A_278] : memref<1048576x16xf32, #tpu.memory_space<hbm>> -> memref<2048x16xf32, #tpu.memory_space<hbm>>
        tpu.enqueue_dma source(%arg7 : memref<2048x16xf32, #tpu.memory_space<vmem>>) target(%dma_start3A_279 : memref<2048x16xf32, #tpu.memory_space<hbm>>) target_semaphore(%run_scoped3A : memref<!tpu.dma_semaphore, #tpu.memory_space<semaphore_mem>>)
        %dma_wait3A_280 = arith.constant 0 : i32
        %dma_wait3A_281 = tpu.memref_slice %arg4[%add3A_13, %dma_wait3A_280] : memref<1048576x16xf32, #tpu.memory_space<hbm>> -> memref<2048x16xf32, #tpu.memory_space<hbm>>
        %dma_wait3A_282 = arith.constant 0 : i32
        %dma_wait3A_283 = tpu.memref_slice %arg4[%add3A_13, %dma_wait3A_282] : memref<1048576x16xf32, #tpu.memory_space<hbm>> -> memref<2048x16xf32, #tpu.memory_space<hbm>>
        tpu.wait_dma2 semaphore(%run_scoped3A : memref<!tpu.dma_semaphore, #tpu.memory_space<semaphore_mem>>) src(%arg7 : memref<2048x16xf32, #tpu.memory_space<vmem>>) dst(%dma_wait3A_283 : memref<2048x16xf32, #tpu.memory_space<hbm>>)
        tpu.yield
      }) : () -> ()
      %scan3A_275 = arith.constant 0 : i32
      scf.yield %scan3A_275 : i32
    }
    %scan3A_6 = arith.constant 16 : i32
    return
  }
}

#map = affine_map<(d0, d1) -> (0)>
module attributes {stable_mosaic.version = 14 : i64} {
  func.func @_expmap_table_body(%arg0: i32, %arg1: i32, %arg2: memref<602208xf32, #tpu.memory_space<hbm>>, %arg3: memref<1900544xf32, #tpu.memory_space<hbm>>, %arg4: memref<22368xf32, #tpu.memory_space<vmem>>, %arg5: memref<59392xf32, #tpu.memory_space<vmem>>, %arg6: memref<!tpu.dma_semaphore, #tpu.memory_space<semaphore_mem>>) attributes {dimension_semantics = [#tpu.dimension_semantics<core_parallel>, #tpu.dimension_semantics<subcore_parallel>], iteration_bounds = array<i64: 2, 16>, scalar_prefetch = 0 : i64, scratch_operands = 3 : i64, tpu.core_type = #tpu.core_type<sc_vector_subcore>, window_params = [{transform_indices = #map}, {transform_indices = #map}]} {
    %mul3A = arith.constant 2 : i32
    %mul3A_0 = arith.muli %arg1, %mul3A : i32
    %add3A = arith.addi %mul3A_0, %arg0 : i32
    %mul3A_1 = arith.constant 3712 : i32
    %mul3A_2 = arith.muli %add3A, %mul3A_1 : i32
    %sub3A = arith.constant 18746 : i32
    %sub3A_3 = arith.subi %mul3A_2, %sub3A : i32
    %max3A = arith.constant 0 : i32
    %max3A_4 = arith.maxsi %max3A, %sub3A_3 : i32
    %shift_right_arithmetic3A = arith.constant 2 : i32
    %shift_right_arithmetic3A_5 = arith.shrsi %max3A_4, %shift_right_arithmetic3A : i32
    %shift_left3A = arith.constant 2 : i32
    %shift_left3A_6 = arith.shli %shift_right_arithmetic3A_5, %shift_left3A : i32
    %mul3A_7 = arith.constant 6 : i32
    %mul3A_8 = arith.muli %shift_left3A_6, %mul3A_7 : i32
    %multiple_of3A = tpu.assume_multiple %mul3A_8, 8 : i32
    "tpu.region"() ({
      %run_scoped3A = tpu.sem_alloc : memref<!tpu.dma_semaphore, #tpu.memory_space<semaphore_mem>>
      %dma_start3A = arith.constant 0 : i32
      %dma_start3A_17 = tpu.memref_slice %arg4[%dma_start3A] : memref<22368xf32, #tpu.memory_space<vmem>> -> memref<48xf32, #tpu.memory_space<vmem>>
      %dma_start3A_18 = arith.constant 0 : i32
      %dma_start3A_19 = tpu.memref_slice %arg2[%dma_start3A_18] : memref<602208xf32, #tpu.memory_space<hbm>> -> memref<48xf32, #tpu.memory_space<hbm>>
      %dma_start3A_20 = arith.constant 0 : i32
      %dma_start3A_21 = tpu.memref_slice %arg4[%dma_start3A_20] : memref<22368xf32, #tpu.memory_space<vmem>> -> memref<48xf32, #tpu.memory_space<vmem>>
      %dma_start3A_22 = arith.constant 0 : i32
      %dma_start3A_23 = tpu.memref_slice %arg2[%dma_start3A_22] : memref<602208xf32, #tpu.memory_space<hbm>> -> memref<48xf32, #tpu.memory_space<hbm>>
      tpu.enqueue_dma source(%dma_start3A_23 : memref<48xf32, #tpu.memory_space<hbm>>) target(%dma_start3A_21 : memref<48xf32, #tpu.memory_space<vmem>>) target_semaphore(%run_scoped3A : memref<!tpu.dma_semaphore, #tpu.memory_space<semaphore_mem>>)
      %dma_wait3A = arith.constant 0 : i32
      %dma_wait3A_24 = tpu.memref_slice %arg4[%dma_wait3A] : memref<22368xf32, #tpu.memory_space<vmem>> -> memref<48xf32, #tpu.memory_space<vmem>>
      %dma_wait3A_25 = arith.constant 0 : i32
      %dma_wait3A_26 = tpu.memref_slice %arg2[%dma_wait3A_25] : memref<602208xf32, #tpu.memory_space<hbm>> -> memref<48xf32, #tpu.memory_space<hbm>>
      %dma_wait3A_27 = arith.constant 0 : i32
      %dma_wait3A_28 = tpu.memref_slice %arg4[%dma_wait3A_27] : memref<22368xf32, #tpu.memory_space<vmem>> -> memref<48xf32, #tpu.memory_space<vmem>>
      %dma_wait3A_29 = arith.constant 0 : i32
      %dma_wait3A_30 = tpu.memref_slice %arg2[%dma_wait3A_29] : memref<602208xf32, #tpu.memory_space<hbm>> -> memref<48xf32, #tpu.memory_space<hbm>>
      tpu.wait_dma2 semaphore(%run_scoped3A : memref<!tpu.dma_semaphore, #tpu.memory_space<semaphore_mem>>) src(%dma_wait3A_30 : memref<48xf32, #tpu.memory_space<hbm>>) dst(%dma_wait3A_28 : memref<48xf32, #tpu.memory_space<vmem>>)
      tpu.yield
    }) : () -> ()
    "tpu.region"() ({
      %run_scoped3A = tpu.sem_alloc : memref<!tpu.dma_semaphore, #tpu.memory_space<semaphore_mem>>
      %dma_start3A = arith.constant 48 : i32
      %dma_start3A_17 = tpu.memref_slice %arg4[%dma_start3A] : memref<22368xf32, #tpu.memory_space<vmem>> -> memref<22320xf32, #tpu.memory_space<vmem>>
      %dma_start3A_18 = tpu.memref_slice %arg2[%multiple_of3A] : memref<602208xf32, #tpu.memory_space<hbm>> -> memref<22320xf32, #tpu.memory_space<hbm>>
      %dma_start3A_19 = arith.constant 48 : i32
      %dma_start3A_20 = tpu.memref_slice %arg4[%dma_start3A_19] : memref<22368xf32, #tpu.memory_space<vmem>> -> memref<22320xf32, #tpu.memory_space<vmem>>
      %dma_start3A_21 = tpu.memref_slice %arg2[%multiple_of3A] : memref<602208xf32, #tpu.memory_space<hbm>> -> memref<22320xf32, #tpu.memory_space<hbm>>
      tpu.enqueue_dma source(%dma_start3A_21 : memref<22320xf32, #tpu.memory_space<hbm>>) target(%dma_start3A_20 : memref<22320xf32, #tpu.memory_space<vmem>>) target_semaphore(%run_scoped3A : memref<!tpu.dma_semaphore, #tpu.memory_space<semaphore_mem>>)
      %dma_wait3A = arith.constant 48 : i32
      %dma_wait3A_22 = tpu.memref_slice %arg4[%dma_wait3A] : memref<22368xf32, #tpu.memory_space<vmem>> -> memref<22320xf32, #tpu.memory_space<vmem>>
      %dma_wait3A_23 = tpu.memref_slice %arg2[%multiple_of3A] : memref<602208xf32, #tpu.memory_space<hbm>> -> memref<22320xf32, #tpu.memory_space<hbm>>
      %dma_wait3A_24 = arith.constant 48 : i32
      %dma_wait3A_25 = tpu.memref_slice %arg4[%dma_wait3A_24] : memref<22368xf32, #tpu.memory_space<vmem>> -> memref<22320xf32, #tpu.memory_space<vmem>>
      %dma_wait3A_26 = tpu.memref_slice %arg2[%multiple_of3A] : memref<602208xf32, #tpu.memory_space<hbm>> -> memref<22320xf32, #tpu.memory_space<hbm>>
      tpu.wait_dma2 semaphore(%run_scoped3A : memref<!tpu.dma_semaphore, #tpu.memory_space<semaphore_mem>>) src(%dma_wait3A_26 : memref<22320xf32, #tpu.memory_space<hbm>>) dst(%dma_wait3A_25 : memref<22320xf32, #tpu.memory_space<vmem>>)
      tpu.yield
    }) : () -> ()
    %iota3A = tpu.iota {dimensions = array<i32: 0>} : vector<16xi32>
    %scan3A = arith.constant 0 : i32
    %scan3A_9 = arith.constant 0 : i32
    %scan3A_10 = arith.constant 232 : i32
    %scan3A_11 = arith.addi %scan3A_9, %scan3A_10 : i32
    %scan3A_12 = arith.constant 1 : i32
    %scan3A_13 = scf.for %scan3A_17 = %scan3A_9 to %scan3A_11 step %scan3A_12 iter_args(%scan3A_18 = %scan3A) -> (i32)  : i32 {
      %mul3A_19 = arith.constant 16 : i32
      %mul3A_20 = arith.muli %scan3A_17, %mul3A_19 : i32
      %add3A_21 = vector.broadcast %mul3A_20 : i32 to vector<16xi32>
      %add3A_22 = arith.addi %iota3A, %add3A_21 : vector<16xi32>
      %add3A_23 = vector.broadcast %mul3A_2 : i32 to vector<16xi32>
      %add3A_24 = arith.addi %add3A_22, %add3A_23 : vector<16xi32>
      %lt3A = arith.constant 18752 : i32
      %lt3A_25 = vector.broadcast %lt3A : i32 to vector<16xi32>
      %lt3A_26 = arith.cmpi slt, %add3A_24, %lt3A_25 : vector<16xi32>
      %jit3A = arith.constant 3125 : i32
      %div3A = vector.broadcast %jit3A : i32 to vector<16xi32>
      %div3A_27 = arith.divsi %add3A_24, %div3A : vector<16xi32>
      %sign3A = arith.constant 0 : i32
      %sign3A_28 = vector.broadcast %sign3A : i32 to vector<16xi32>
      %sign3A_29 = arith.cmpi sgt, %add3A_24, %sign3A_28 : vector<16xi32>
      %sign3A_30 = arith.extui %sign3A_29 : vector<16xi1> to vector<16xi32>
      %sign3A_31 = arith.constant 0 : i32
      %sign3A_32 = vector.broadcast %sign3A_31 : i32 to vector<16xi32>
      %sign3A_33 = arith.cmpi slt, %add3A_24, %sign3A_32 : vector<16xi32>
      %sign3A_34 = arith.extui %sign3A_33 : vector<16xi1> to vector<16xi32>
      %sign3A_35 = arith.subi %sign3A_30, %sign3A_34 : vector<16xi32>
      %sign3A_36 = arith.constant 0 : i32
      %sign3A_37 = arith.cmpi sgt, %jit3A, %sign3A_36 : i32
      %sign3A_38 = arith.extui %sign3A_37 : i1 to i32
      %sign3A_39 = arith.constant 0 : i32
      %sign3A_40 = arith.cmpi slt, %jit3A, %sign3A_39 : i32
      %sign3A_41 = arith.extui %sign3A_40 : i1 to i32
      %sign3A_42 = arith.subi %sign3A_38, %sign3A_41 : i32
      %ne3A = vector.broadcast %sign3A_42 : i32 to vector<16xi32>
      %ne3A_43 = arith.cmpi ne, %sign3A_35, %ne3A : vector<16xi32>
      %rem3A = vector.broadcast %jit3A : i32 to vector<16xi32>
      %rem3A_44 = arith.remsi %add3A_24, %rem3A : vector<16xi32>
      %ne3A_45 = arith.constant 0 : i32
      %ne3A_46 = vector.broadcast %ne3A_45 : i32 to vector<16xi32>
      %ne3A_47 = arith.cmpi ne, %rem3A_44, %ne3A_46 : vector<16xi32>
      %and3A = arith.andi %ne3A_43, %ne3A_47 : vector<16xi1>
      %sub3A_48 = arith.constant 1 : i32
      %sub3A_49 = vector.broadcast %sub3A_48 : i32 to vector<16xi32>
      %sub3A_50 = arith.subi %div3A_27, %sub3A_49 : vector<16xi32>
      %select_n3A = arith.select %and3A, %sub3A_50, %div3A_27 : vector<16xi1>, vector<16xi32>
      %sub3A_51 = arith.constant 18746 : i32
      %sub3A_52 = vector.broadcast %sub3A_51 : i32 to vector<16xi32>
      %sub3A_53 = arith.subi %add3A_24, %sub3A_52 : vector<16xi32>
      %sub3A_54 = vector.broadcast %shift_left3A_6 : i32 to vector<16xi32>
      %sub3A_55 = arith.subi %sub3A_53, %sub3A_54 : vector<16xi32>
      %add3A_56 = arith.constant 8 : i32
      %add3A_57 = vector.broadcast %add3A_56 : i32 to vector<16xi32>
      %add3A_58 = arith.addi %sub3A_55, %add3A_57 : vector<16xi32>
      %select_n3A_59 = arith.select %lt3A_26, %select_n3A, %add3A_58 : vector<16xi1>, vector<16xi32>
      %mul3A_60 = arith.constant 6 : i32
      %mul3A_61 = vector.broadcast %mul3A_60 : i32 to vector<16xi32>
      %mul3A_62 = arith.muli %select_n3A_59, %mul3A_61 : vector<16xi32>
      %add3A_63 = arith.constant 0 : i32
      %add3A_64 = vector.broadcast %add3A_63 : i32 to vector<16xi32>
      %add3A_65 = arith.addi %mul3A_62, %add3A_64 : vector<16xi32>
      %gather3A = tpu.vector_load_idx %arg4[%add3A_65] : memref<22368xf32, #tpu.memory_space<vmem>>[vector<16xi32>], vector<16xf32>,
      %add3A_66 = arith.constant 1 : i32
      %add3A_67 = vector.broadcast %add3A_66 : i32 to vector<16xi32>
      %add3A_68 = arith.addi %mul3A_62, %add3A_67 : vector<16xi32>
      %gather3A_69 = tpu.vector_load_idx %arg4[%add3A_68] : memref<22368xf32, #tpu.memory_space<vmem>>[vector<16xi32>], vector<16xf32>,
      %add3A_70 = arith.constant 2 : i32
      %add3A_71 = vector.broadcast %add3A_70 : i32 to vector<16xi32>
      %add3A_72 = arith.addi %mul3A_62, %add3A_71 : vector<16xi32>
      %gather3A_73 = tpu.vector_load_idx %arg4[%add3A_72] : memref<22368xf32, #tpu.memory_space<vmem>>[vector<16xi32>], vector<16xf32>,
      %add3A_74 = arith.constant 3 : i32
      %add3A_75 = vector.broadcast %add3A_74 : i32 to vector<16xi32>
      %add3A_76 = arith.addi %mul3A_62, %add3A_75 : vector<16xi32>
      %gather3A_77 = tpu.vector_load_idx %arg4[%add3A_76] : memref<22368xf32, #tpu.memory_space<vmem>>[vector<16xi32>], vector<16xf32>,
      %add3A_78 = arith.constant 4 : i32
      %add3A_79 = vector.broadcast %add3A_78 : i32 to vector<16xi32>
      %add3A_80 = arith.addi %mul3A_62, %add3A_79 : vector<16xi32>
      %gather3A_81 = tpu.vector_load_idx %arg4[%add3A_80] : memref<22368xf32, #tpu.memory_space<vmem>>[vector<16xi32>], vector<16xf32>,
      %add3A_82 = arith.constant 5 : i32
      %add3A_83 = vector.broadcast %add3A_82 : i32 to vector<16xi32>
      %add3A_84 = arith.addi %mul3A_62, %add3A_83 : vector<16xi32>
      %gather3A_85 = tpu.vector_load_idx %arg4[%add3A_84] : memref<22368xf32, #tpu.memory_space<vmem>>[vector<16xi32>], vector<16xf32>,
      %mul3A_86 = arith.mulf %gather3A_77, %gather3A_77 : vector<16xf32>
      %mul3A_87 = arith.mulf %gather3A_81, %gather3A_81 : vector<16xf32>
      %add3A_88 = arith.addf %mul3A_86, %mul3A_87 : vector<16xf32>
      %mul3A_89 = arith.mulf %gather3A_85, %gather3A_85 : vector<16xf32>
      %add3A_90 = arith.addf %add3A_88, %mul3A_89 : vector<16xf32>
      %max3A_91 = arith.constant 9.99999974E-5 : f32
      %max3A_92 = vector.broadcast %max3A_91 : f32 to vector<16xf32>
      %max3A_93 = arith.maximumf %add3A_90, %max3A_92 : vector<16xf32>
      %mul3A_94 = arith.constant 2.75573188E-6 : f32
      %mul3A_95 = vector.broadcast %mul3A_94 : f32 to vector<16xf32>
      %mul3A_96 = arith.mulf %max3A_93, %mul3A_95 : vector<16xf32>
      %add3A_97 = arith.constant -1.98412701E-4 : f32
      %add3A_98 = vector.broadcast %add3A_97 : f32 to vector<16xf32>
      %add3A_99 = arith.addf %add3A_98, %mul3A_96 : vector<16xf32>
      %mul3A_100 = arith.mulf %max3A_93, %add3A_99 : vector<16xf32>
      %add3A_101 = arith.constant 0.00833333377 : f32
      %add3A_102 = vector.broadcast %add3A_101 : f32 to vector<16xf32>
      %add3A_103 = arith.addf %add3A_102, %mul3A_100 : vector<16xf32>
      %mul3A_104 = arith.mulf %max3A_93, %add3A_103 : vector<16xf32>
      %add3A_105 = arith.constant -0.166666672 : f32
      %add3A_106 = vector.broadcast %add3A_105 : f32 to vector<16xf32>
      %add3A_107 = arith.addf %add3A_106, %mul3A_104 : vector<16xf32>
      %mul3A_108 = arith.mulf %max3A_93, %add3A_107 : vector<16xf32>
      %add3A_109 = arith.constant 1.000000e+00 : f32
      %add3A_110 = vector.broadcast %add3A_109 : f32 to vector<16xf32>
      %add3A_111 = arith.addf %add3A_110, %mul3A_108 : vector<16xf32>
      %mul3A_112 = arith.constant 2.755732E-7 : f32
      %mul3A_113 = vector.broadcast %mul3A_112 : f32 to vector<16xf32>
      %mul3A_114 = arith.mulf %max3A_93, %mul3A_113 : vector<16xf32>
      %add3A_115 = arith.constant -2.48015876E-5 : f32
      %add3A_116 = vector.broadcast %add3A_115 : f32 to vector<16xf32>
      %add3A_117 = arith.addf %add3A_116, %mul3A_114 : vector<16xf32>
      %mul3A_118 = arith.mulf %max3A_93, %add3A_117 : vector<16xf32>
      %add3A_119 = arith.constant 0.00138888892 : f32
      %add3A_120 = vector.broadcast %add3A_119 : f32 to vector<16xf32>
      %add3A_121 = arith.addf %add3A_120, %mul3A_118 : vector<16xf32>
      %mul3A_122 = arith.mulf %max3A_93, %add3A_121 : vector<16xf32>
      %add3A_123 = arith.constant -0.0416666679 : f32
      %add3A_124 = vector.broadcast %add3A_123 : f32 to vector<16xf32>
      %add3A_125 = arith.addf %add3A_124, %mul3A_122 : vector<16xf32>
      %mul3A_126 = arith.mulf %max3A_93, %add3A_125 : vector<16xf32>
      %add3A_127 = arith.constant 5.000000e-01 : f32
      %add3A_128 = vector.broadcast %add3A_127 : f32 to vector<16xf32>
      %add3A_129 = arith.addf %add3A_128, %mul3A_126 : vector<16xf32>
      %mul3A_130 = arith.mulf %add3A_129, %gather3A_77 : vector<16xf32>
      %mul3A_131 = arith.mulf %mul3A_130, %gather3A_81 : vector<16xf32>
      %mul3A_132 = arith.mulf %add3A_129, %gather3A_77 : vector<16xf32>
      %mul3A_133 = arith.mulf %mul3A_132, %gather3A_85 : vector<16xf32>
      %mul3A_134 = arith.mulf %add3A_129, %gather3A_81 : vector<16xf32>
      %mul3A_135 = arith.mulf %mul3A_134, %gather3A_85 : vector<16xf32>
      %mul3A_136 = arith.mulf %add3A_111, %gather3A_77 : vector<16xf32>
      %mul3A_137 = arith.mulf %add3A_111, %gather3A_81 : vector<16xf32>
      %mul3A_138 = arith.mulf %add3A_111, %gather3A_85 : vector<16xf32>
      %mul3A_139 = arith.mulf %gather3A_77, %gather3A_77 : vector<16xf32>
      %sub3A_140 = arith.subf %mul3A_139, %add3A_90 : vector<16xf32>
      %mul3A_141 = arith.mulf %add3A_129, %sub3A_140 : vector<16xf32>
      %add3A_142 = arith.constant 1.000000e+00 : f32
      %add3A_143 = vector.broadcast %add3A_142 : f32 to vector<16xf32>
      %add3A_144 = arith.addf %add3A_143, %mul3A_141 : vector<16xf32>
      %sub3A_145 = arith.subf %mul3A_131, %mul3A_138 : vector<16xf32>
      %add3A_146 = arith.addf %mul3A_133, %mul3A_137 : vector<16xf32>
      %add3A_147 = arith.addf %mul3A_131, %mul3A_138 : vector<16xf32>
      %mul3A_148 = arith.mulf %gather3A_81, %gather3A_81 : vector<16xf32>
      %sub3A_149 = arith.subf %mul3A_148, %add3A_90 : vector<16xf32>
      %mul3A_150 = arith.mulf %add3A_129, %sub3A_149 : vector<16xf32>
      %add3A_151 = arith.constant 1.000000e+00 : f32
      %add3A_152 = vector.broadcast %add3A_151 : f32 to vector<16xf32>
      %add3A_153 = arith.addf %add3A_152, %mul3A_150 : vector<16xf32>
      %sub3A_154 = arith.subf %mul3A_135, %mul3A_136 : vector<16xf32>
      %sub3A_155 = arith.subf %mul3A_133, %mul3A_137 : vector<16xf32>
      %add3A_156 = arith.addf %mul3A_135, %mul3A_136 : vector<16xf32>
      %mul3A_157 = arith.mulf %gather3A_85, %gather3A_85 : vector<16xf32>
      %sub3A_158 = arith.subf %mul3A_157, %add3A_90 : vector<16xf32>
      %mul3A_159 = arith.mulf %add3A_129, %sub3A_158 : vector<16xf32>
      %add3A_160 = arith.constant 1.000000e+00 : f32
      %add3A_161 = vector.broadcast %add3A_160 : f32 to vector<16xf32>
      %add3A_162 = arith.addf %add3A_161, %mul3A_159 : vector<16xf32>
      %mul3A_163 = arith.constant 16 : i32
      %mul3A_164 = vector.broadcast %mul3A_163 : i32 to vector<16xi32>
      %mul3A_165 = arith.muli %add3A_22, %mul3A_164 : vector<16xi32>
      %add3A_166 = arith.constant 0 : i32
      %add3A_167 = vector.broadcast %add3A_166 : i32 to vector<16xi32>
      %add3A_168 = arith.addi %mul3A_165, %add3A_167 : vector<16xi32>
      tpu.vector_store_idx %arg5[%add3A_168], %add3A_144 : memref<59392xf32, #tpu.memory_space<vmem>>[vector<16xi32>], vector<16xf32>,
      %add3A_169 = arith.constant 1 : i32
      %add3A_170 = vector.broadcast %add3A_169 : i32 to vector<16xi32>
      %add3A_171 = arith.addi %mul3A_165, %add3A_170 : vector<16xi32>
      tpu.vector_store_idx %arg5[%add3A_171], %sub3A_145 : memref<59392xf32, #tpu.memory_space<vmem>>[vector<16xi32>], vector<16xf32>,
      %add3A_172 = arith.constant 2 : i32
      %add3A_173 = vector.broadcast %add3A_172 : i32 to vector<16xi32>
      %add3A_174 = arith.addi %mul3A_165, %add3A_173 : vector<16xi32>
      tpu.vector_store_idx %arg5[%add3A_174], %add3A_146 : memref<59392xf32, #tpu.memory_space<vmem>>[vector<16xi32>], vector<16xf32>,
      %add3A_175 = arith.constant 3 : i32
      %add3A_176 = vector.broadcast %add3A_175 : i32 to vector<16xi32>
      %add3A_177 = arith.addi %mul3A_165, %add3A_176 : vector<16xi32>
      tpu.vector_store_idx %arg5[%add3A_177], %gather3A : memref<59392xf32, #tpu.memory_space<vmem>>[vector<16xi32>], vector<16xf32>,
      %add3A_178 = arith.constant 4 : i32
      %add3A_179 = vector.broadcast %add3A_178 : i32 to vector<16xi32>
      %add3A_180 = arith.addi %mul3A_165, %add3A_179 : vector<16xi32>
      tpu.vector_store_idx %arg5[%add3A_180], %add3A_147 : memref<59392xf32, #tpu.memory_space<vmem>>[vector<16xi32>], vector<16xf32>,
      %add3A_181 = arith.constant 5 : i32
      %add3A_182 = vector.broadcast %add3A_181 : i32 to vector<16xi32>
      %add3A_183 = arith.addi %mul3A_165, %add3A_182 : vector<16xi32>
      tpu.vector_store_idx %arg5[%add3A_183], %add3A_153 : memref<59392xf32, #tpu.memory_space<vmem>>[vector<16xi32>], vector<16xf32>,
      %add3A_184 = arith.constant 6 : i32
      %add3A_185 = vector.broadcast %add3A_184 : i32 to vector<16xi32>
      %add3A_186 = arith.addi %mul3A_165, %add3A_185 : vector<16xi32>
      tpu.vector_store_idx %arg5[%add3A_186], %sub3A_154 : memref<59392xf32, #tpu.memory_space<vmem>>[vector<16xi32>], vector<16xf32>,
      %add3A_187 = arith.constant 7 : i32
      %add3A_188 = vector.broadcast %add3A_187 : i32 to vector<16xi32>
      %add3A_189 = arith.addi %mul3A_165, %add3A_188 : vector<16xi32>
      tpu.vector_store_idx %arg5[%add3A_189], %gather3A_69 : memref<59392xf32, #tpu.memory_space<vmem>>[vector<16xi32>], vector<16xf32>,
      %add3A_190 = arith.constant 8 : i32
      %add3A_191 = vector.broadcast %add3A_190 : i32 to vector<16xi32>
      %add3A_192 = arith.addi %mul3A_165, %add3A_191 : vector<16xi32>
      tpu.vector_store_idx %arg5[%add3A_192], %sub3A_155 : memref<59392xf32, #tpu.memory_space<vmem>>[vector<16xi32>], vector<16xf32>,
      %add3A_193 = arith.constant 9 : i32
      %add3A_194 = vector.broadcast %add3A_193 : i32 to vector<16xi32>
      %add3A_195 = arith.addi %mul3A_165, %add3A_194 : vector<16xi32>
      tpu.vector_store_idx %arg5[%add3A_195], %add3A_156 : memref<59392xf32, #tpu.memory_space<vmem>>[vector<16xi32>], vector<16xf32>,
      %add3A_196 = arith.constant 10 : i32
      %add3A_197 = vector.broadcast %add3A_196 : i32 to vector<16xi32>
      %add3A_198 = arith.addi %mul3A_165, %add3A_197 : vector<16xi32>
      tpu.vector_store_idx %arg5[%add3A_198], %add3A_162 : memref<59392xf32, #tpu.memory_space<vmem>>[vector<16xi32>], vector<16xf32>,
      %add3A_199 = arith.constant 11 : i32
      %add3A_200 = vector.broadcast %add3A_199 : i32 to vector<16xi32>
      %add3A_201 = arith.addi %mul3A_165, %add3A_200 : vector<16xi32>
      tpu.vector_store_idx %arg5[%add3A_201], %gather3A_73 : memref<59392xf32, #tpu.memory_space<vmem>>[vector<16xi32>], vector<16xf32>,
      %scan3A_202 = arith.constant 0 : i32
      scf.yield %scan3A_202 : i32
    }
    %scan3A_14 = arith.constant 232 : i32
    %mul3A_15 = arith.constant 16 : i32
    %mul3A_16 = arith.muli %mul3A_2, %mul3A_15 : i32
    "tpu.region"() ({
      %run_scoped3A = tpu.sem_alloc : memref<!tpu.dma_semaphore, #tpu.memory_space<semaphore_mem>>
      %dma_start3A = tpu.memref_slice %arg3[%mul3A_16] : memref<1900544xf32, #tpu.memory_space<hbm>> -> memref<59392xf32, #tpu.memory_space<hbm>>
      %dma_start3A_17 = tpu.memref_slice %arg3[%mul3A_16] : memref<1900544xf32, #tpu.memory_space<hbm>> -> memref<59392xf32, #tpu.memory_space<hbm>>
      tpu.enqueue_dma source(%arg5 : memref<59392xf32, #tpu.memory_space<vmem>>) target(%dma_start3A_17 : memref<59392xf32, #tpu.memory_space<hbm>>) target_semaphore(%run_scoped3A : memref<!tpu.dma_semaphore, #tpu.memory_space<semaphore_mem>>)
      %dma_wait3A = tpu.memref_slice %arg3[%mul3A_16] : memref<1900544xf32, #tpu.memory_space<hbm>> -> memref<59392xf32, #tpu.memory_space<hbm>>
      %dma_wait3A_18 = tpu.memref_slice %arg3[%mul3A_16] : memref<1900544xf32, #tpu.memory_space<hbm>> -> memref<59392xf32, #tpu.memory_space<hbm>>
      tpu.wait_dma2 semaphore(%run_scoped3A : memref<!tpu.dma_semaphore, #tpu.memory_space<semaphore_mem>>) src(%arg5 : memref<59392xf32, #tpu.memory_space<vmem>>) dst(%dma_wait3A_18 : memref<59392xf32, #tpu.memory_space<hbm>>)
      tpu.yield
    }) : () -> ()
    return
  }
}

</mosaic_0001>

<sc_bundles>
// kernel: kernel.4.cloned.1.call-start
scs
__scs_entry_jumppad:
0x0: {  	(pc) =	sbr.rel $0x88, $3  }
0x1: {  	(tag) =	ssettag $0x0;
	lr =	simm.s32 $0x1  }
0x2: {  	[smem:$0x3F9E] =	sst lr;
	_ =	strace $0xD0000000  }
0x3: {  	_ = 	snop  }
0x4: {  	_ = 	snop  }
0x5: {  	_ = 	snop  }
0x6: {  	_ = 	snop  }
0x7: {  	_ = 	snop  }
__scs_overlays_trampoline_lowered:
0x8: {  	[smem:$0x3FAD] =	sst s0  }
0x9: {  	[smem:$0x3FAE] =	sst s1  }
0xa: {  	[smem:$0x3FAF] =	sst s2  }
0xb: {  	[smem:$0x3FB0] =	sst s3  }
0xc: {  	[smem:$0x3FB1] =	sst s4  }
0xd: {  	[smem:$0x3FB2] =	sst s5  }
0xe: {  	[smem:$0x3FB3] =	sst s6  }
0xf: {  	[smem:$0x3FB4] =	sst s7  }
0x10: {  	[smem:$0x3FB5] =	sst s8  }
0x11: {  	[smem:$0x3FB6] =	sst s9;
	s0 =	simm.s32 @!p0 $0x0  }
0x12: {  	s1 =	sld [smem:$0x3F9C];
	s0 =	simm.s32 @p0 $0x1  }
0x13: {  	[smem:$0x3FB7] =	sst s0;
	s0 =	simm.s32 @!p1 $0x0  }
0x14: {  	s2 =	sld [smem:$0x3F9B];
	s0 =	simm.s32 @p1 $0x1  }
0x15: {  	[smem:$0x3FB8] =	sst s0;
	s0 =	simm.s32 @!p2 $0x0  }
0x16: {  	s3 =	sld [smem:$0x3FDB];
	s0 =	simm.s32 @p2 $0x1  }
0x17: {  	s4 =	simm.s32 $0x1BF5;
	[smem:$0x3FBA] =	sst s0  }
0x18: {  	s0 =	sld [smem:$0x3F9D];
	_ =	swait.ge [sflag:s4], $0x0  }
0x19: {  	s7 =	sld [smem:$0x3F9E]  }
0x1a: {  	s8 =	sadd.s32 $0xFFFFE003, lr  }
0x1b: {  	s9 =	sadd.s32 $0xFFFFFEF7, lr;
	s5 =	simm.s32 $0xFFFFFFFF;
	p2 =	slt.u32 s8, $0xFFFFF086  }
0x1c: {  	p1 =	slt.u32 s9, $0xF7A;
	s5 =	simm.s32 @!p2 $0x0  }
0x1d: {  	s5 =	simm.s32 @p1 $0x1;
	p0 =	seq.s32 s7, s2  }
0x1e: {  	s7 =	smul.u32 @!p0 $0xF7A, s2;
	p2 =	seq.s32 @!p0 s5, $0x0  }
0x1f: {  	s9 =	smul.u32 $0xF7A, s1;
	s8 =	simm.s32 @!p0 $0x1BF5;
	p2 =	por !p2, p0  }
0x20: {  	[sflag:s8] =	ssyncset.s32 @!p0 $0xFFFFF086;
	s6 =	sadd.s32 @!p0 s3, s7;
	s7 =	simm.s32 @!p0 $0x108  }
0x21: {  	s3 =	sadd.s32 s3, s9;
	s6 =	sadd.s32 @!p0 $0x88, s6;
	s7 =	simm.s32 @p2 $0x1082  }
0x22: {  	[simem:s7], [sflag:s8] =	dma.local @!p0 [hbm:s6], $0xF7A  }
0x23: {  	s9 =	sor.u32 $0xD0000000, s2;
	s6 =	simm.s32 $0x108;
	_ =	swait.ge @!p0 [sflag:s8], $0x0  }
0x24: {  	s3 =	sadd.s32 $0x88, s3;
	s6 =	simm.s32 @!p1 $0x1082;
	[sflag:s4] =	ssyncset.s32 $0xFFFFF086  }
0x25: {  	[simem:s6], [sflag:s4] =	dma.local [hbm:s3], $0xF7A  }
0x26: {  	[smem:$0x3F9E] =	sst s1;
	(tag) =	ssettag s2;
	_ =	strace s9  }
0x27: {  	s1 =	sld [smem:$0x3FAE]  }
0x28: {  	s2 =	sld [smem:$0x3FAF]  }
0x29: {  	s4 =	sld [smem:$0x3FB1]  }
0x2a: {  	p0 =	seq.s32 s5, $0x0;
	s5 =	sld [smem:$0x3FB2]  }
0x2b: {  	s6 =	sld [smem:$0x3FB3]  }
0x2c: {  	s7 =	sld [smem:$0x3FB4]  }
0x2d: {  	s3 =	simm.s32 $0x108;
	s8 =	sld [smem:$0x3FB5]  }
0x2e: {  	s3 =	simm.s32 @!p0 $0x1082;
	s9 =	sld [smem:$0x3FB6]  }
0x2f: {  	lr =	sadd.s32 s0, s3;
	s0 =	sld [smem:$0x3FAD]  }
0x30: {  	s3 =	sld [smem:$0x3FB0]  }
0x31: {  	[smem:$0x3FB9] =	sst s10  }
0x32: {  	s10 =	sld [smem:$0x3FB7];
	_ =	sdelay $0x3  }
0x33: {  	p0 =	seq.s32 s10, $0x1;
	s10 =	sld [smem:$0x3FB9];
	_ =	sdelay $0x3  }
0x34: {  	[smem:$0x3FB9] =	sst s10  }
0x35: {  	s10 =	sld [smem:$0x3FB8];
	_ =	sdelay $0x3  }
0x36: {  	p1 =	seq.s32 s10, $0x1;
	s10 =	sld [smem:$0x3FB9];
	_ =	sdelay $0x3  }
0x37: {  	[smem:$0x3FB9] =	sst s10  }
0x38: {  	s10 =	sld [smem:$0x3FBA]  }
0x39: {  	_ = 	snop;
	(pc) =	sbr.ind lr, $3  }
0x3a: {  	_ = 	snop  }
0x3b: {  	_ = 	snop  }
0x3c: {  	p2 =	seq.s32 s10, $0x1;
	s10 =	sld [smem:$0x3FB9]  }
0x3d: {  	_ =	shalt  }
0x3e: {  	_ =	shalt  }
0x3f: {  	_ =	shalt  }
0x40: {  	_ =	shalt  }
0x41: {  	_ =	shalt  }
0x42: {  	_ =	shalt  }
0x43: {  	_ =	shalt  }
0x44: {  	_ =	shalt  }
0x45: {  	_ =	shalt  }
0x46: {  	_ =	shalt  }
0x47: {  	_ =	shalt  }
0x48: {  	_ =	shalt  }
0x49: {  	_ =	shalt  }
0x4a: {  	_ =	shalt  }
0x4b: {  	_ =	shalt  }
0x4c: {  	_ =	shalt  }
0x4d: {  	_ =	shalt  }
0x4e: {  	_ =	shalt  }
0x4f: {  	_ =	shalt  }
0x50: {  	_ =	shalt  }
0x51: {  	_ =	shalt  }
0x52: {  	_ =	shalt  }
0x53: {  	_ =	shalt  }
0x54: {  	_ =	shalt  }
0x55: {  	_ =	shalt  }
0x56: {  	_ =	shalt  }
0x57: {  	_ =	shalt  }
0x58: {  	_ =	shalt  }
0x59: {  	_ =	shalt  }
0x5a: {  	_ =	shalt  }
0x5b: {  	_ =	shalt  }
0x5c: {  	_ =	shalt  }
0x5d: {  	_ =	shalt  }
0x5e: {  	_ =	shalt  }
0x5f: {  	_ =	shalt  }
0x60: {  	_ =	shalt  }
0x61: {  	_ =	shalt  }
0x62: {  	_ =	shalt  }
0x63: {  	_ =	shalt  }
0x64: {  	_ =	shalt  }
0x65: {  	_ =	shalt  }
0x66: {  	_ =	shalt  }
0x67: {  	_ =	shalt  }
0x68: {  	_ =	shalt  }
0x69: {  	_ =	shalt  }
0x6a: {  	_ =	shalt  }
0x6b: {  	_ =	shalt  }
0x6c: {  	_ =	shalt  }
0x6d: {  	_ =	shalt  }
0x6e: {  	_ =	shalt  }
0x6f: {  	_ =	shalt  }
0x70: {  	_ =	shalt  }
0x71: {  	_ =	shalt  }
0x72: {  	_ =	shalt  }
0x73: {  	_ =	shalt  }
0x74: {  	_ =	shalt  }
0x75: {  	_ =	shalt  }
0x76: {  	_ =	shalt  }
0x77: {  	_ =	shalt  }
0x78: {  	_ =	shalt  }
0x79: {  	_ =	shalt  }
0x7a: {  	_ =	shalt  }
0x7b: {  	_ =	shalt  }
0x7c: {  	_ =	shalt  }
0x7d: {  	_ =	shalt  }
0x7e: {  	_ =	shalt  }
0x7f: {  	_ =	shalt  }
0x80: {  	_ =	shalt  }
0x81: {  	_ =	shalt  }
0x82: {  	_ =	shalt  }
0x83: {  	_ =	shalt  }
0x84: {  	_ =	shalt  }
0x85: {  	_ =	shalt  }
0x86: {  	_ =	shalt  }
0x87: {  	_ =	shalt  }
.Lfunc_end0:
.L_simem_size_0:
called_computation.1_lowered:
.L_overlay_start_0:
0x88: {  	s2 =	sld [smem:$0x3FD9]  }
0x89: {  	s3 =	sld [smem:$0x3FFE];
	_ =	sdelay $0x1  }
0x8a: {  	s1 =	srdreg.scid  }
0x8b: {  	s0 =	sand.u32 $0x1, s1  }
0x8c: {  	s17 =	sshll.u32 s0, $0xA;
	s2 =	sadd.s32 s3, s2  }
0x8d: {  	s2 =	sadd.s32 s2, s17  }
0x8e: {  	[smem:$0x3FC5] =	sst s2  }
0x8f: {  	_ = 	snop  }
0x90: {  	s2 =	sld [smem:$0x3FD0];
	(tm) =	ssettm $0x1  }
0x91: {  	s18 =	sld [smem:$0x3FFB];
	_ =	sdelay $0x3  }
0x92: {  	_ =	strace s18  }
0x93: {  	s3 =	sld [smem:$0x3FFC];
	_ =	sdelay $0x3  }
0x94: {  	_ =	strace s3  }
0x95: {  	s3 =	sld [smem:$0x3FFD];
	_ =	sdelay $0x3  }
0x96: {  	_ =	strace s3  }
0x97: {  	_ =	strace $0x8FFFFFFF  }
0x98: {  	s19 =	sld [smem:$0x3FDB];
	_ =	sdelay $0x1  }
0x99: {  	s4 =	simm.s32 $_scs_section_size  }
0x9a: {  	s5 =	simm.s32 $_size__tile_overlayer_lowered;
	s6 =	simm.s32 $_tile_overlayer_lowered  }
0x9b: {  	s22 =	simm.s32 $0x1BFF;
	s21 =	sshll.u32 s6, $0x1;
	s3 =	sadd.s32 s4, s19  }
0x9c: {  	s7 =	simm.s32 $0x0;
	s20 =	sshll.u32 s5, $0x1;
	s5 =	sadd.s32 s21, s3  }
0x9d: {  	[timem:s7], [sflag:s22] =	dma.local [hbm:s5], s20  }
0x9e: {  	_ =	swait.ge [sflag:s22], s20  }
0x9f: {  	s4 =	ssub.s32 $0x0, s20;
	[sflag:s22] =	ssyncset.done $0x0  }
0xa0: {  	[sflag:s22] =	ssyncadd.s32 s4;
	_ =	sdelay $0x1  }
0xa1: {  	s23 =	simm.s32 $0x1B8B  }
0xa2: {  	_ =	swait.ge [sflag:s23], $0x1  }
0xa3: {  	[sflag:s23] =	ssyncset.done $0x0  }
0xa4: {  	s25 =	simm.s32 $0x1B8E;
	s24 =	sld [smem:$0x3FFE];
	[sflag:s23] =	ssyncadd.s32 $0xFFFFFFFF  }
0xa5: {  	s26 =	simm.s32 $execute0_lowered;
	[smem:$0x3FD2] =	sst s25  }
0xa6: {  	s5 =	sshll.u32 s26, $0x1;
	_ =	strace $0x80000046;
	[dreg:$0x1] =	wrdreg $0xFFFFFFFF  }
0xa7: {  	s28 =	simm.s32 $_size_execute0_lowered;
	s3 =	sadd.s32 s3, s5;
	[dreg:$0x0] =	wrdreg $0x0  }
0xa8: {  	s5 =	sshll.u32 s28, $0x1;
	[dreg:$0x2] =	wrdreg s3  }
0xa9: {  	[dreg:$0x3] =	wrdreg s5  }
0xaa: {  	[dreg:$0x4] =	wrdreg $0xC0  }
0xab: {  	_ =	task [dreg:s7], $0x5FFFF  }
0xac: {  	[dreg:$0x1] =	wrdreg $0xFFFFFFFF  }
0xad: {  	[dreg:$0x0] =	wrdreg $0x60  }
0xae: {  	[dreg:$0x2] =	wrdreg s24  }
0xaf: {  	[dreg:$0x3] =	wrdreg s2  }
0xb0: {  	[dreg:$0x4] =	wrdreg $0x9  }
0xb1: {  	_ =	task.clear_ibuf [dreg:s7], $0x5FFFF;
	_ =	strace $0x90000046  }
0xb2: {  	s29 =	simm.s32 $0x9;
	_ =	strace $0x80000048  }
0xb3: {  	_ =	swait.ge [sflag:s29], $0x1  }
0xb4: {  	[sflag:s29] =	ssyncadd.s32 $0xFFFFFFFF  }
0xb5: {  	_ =	strace $0x90000048  }
0xb6: {  	_ =	sfence  }
0xb7: {  	s30 =	sld [smem:$0x0];
	_ =	sdelay $0x2  }
0xb8: {  	s31 =	sshll.u32 s1, $0xD;
	s1 =	sshrl.u32 s1, $0x2  }
0xb9: {  	s3 =	sand.u32 $0x4000, s31;
	s1 =	sadd.s32 s1, s30  }
0xba: {  	s0 =	sor.u32 s3, s0;
	s1 =	sshll.u32 s1, $0x11  }
0xbb: {  	s0 =	sor.u32 s1, s0  }
0xbc: {  	s0 =	sadd.s32 $0x8F2B, s0  }
0xbd: {  	[sflag:s0] =	ssyncadd.remote.s32 $0x1  }
0xbe: {  	_ =	sfence.sel $0xFFFF  }
0xbf: {  	[dreg:$0x0] =	wrdreg $0xFFFFFFFF;
	(pc) =	sbr.abs _section_cstart, $3  }
0xc0: {  	[dreg:$0x1] =	wrdreg $0xFFFFFFFF  }
0xc1: {  	_ =	task.clear_ibuf [dreg:s7], $0x2FFFF;
	_ =	strace $0x9FFFFFFF  }
0xc2: {  	(tm) =	ssettm $0x7FFFFFFF  }
0xc3: {  	_ =	shalt  }
tec
execute0_lowered:
.L_overlay_start_1:
0x0: {  	(tag) =	ssettag $0x1  }
0x1: {  	s1 =	srdreg.scid;
	s0 =	stileid.u32  }
0x2: {  	s4 =	sand.u32 $0x1, s1;
	s30 =	sshll.u32 s0, $0x1  }
0x3: {  	s5 =	sor.u32 s4, s30  }
0x4: {  	s3 =	rddreg [dreg:$0x0];
	s8 =	smul.u32 $0xE80, s5  }
0x5: {  	s6 =	rddreg [dreg:$0x1];
	s2 =	simm.s32 $0x0  }
0x6: {  	[smem:$0x7FF] =	sst s2;
	s31 =	smax.u32 s8, $0x493A  }
0x7: {  	s4 =	ssub.s32 $0x2, s4;
	s5 =	smul.u32 $0x1D00, s5;
	s1 =	sadd.s32 $0x7FFFB6C6, s31  }
0x8: {  	s3 =	sadd.s32 $0x188E00, s3;
	s10 =	sshrl.u32 s4, $0x1;
	s7 =	sand.u32 $0x7FFFFFC4, s1  }
0x9: {  	s10 =	ssub.s32 s4, s10;
	s5 =	sadd.s32 s6, s5;
	s9 =	smul.u32 $0x6, s7  }
0xa: {  	s6 =	smax.u32 s10, $0x1;
	s10 =	simm.s32 $0x0;
	s1 =	rddreg [dreg:$0x2];
	v0 =	vmov s7  }
0xb: {  	_ =	strace $0x80000047;
	s7 =	simm.s32 $0x1;
	v1 =	vsub.s32 $0xFFFFB6CE, v0;
	s9 =	sshrl.u32 s9, $0x3  }
0xc: {  	v2 =	vlaneseq.u32;
	v0 =	vmov s8;
	s8 =	simm.s32 $0x30;
	v1 =	vbroadcast v1, $0x0;
	s4 =	sadd.s32 s3, s9;
	s9 =	simm.s32 $0x5760  }
.LBB2_1:
0xd: {  	v3 =	vor.u32 s2, v2  }
0xe: {  	v4 =	vadd.s32 v0, v3  }
0xf: {  	v5 =	vmulhi.u32 $0x4F8B588F, v4;
	_ =	sdelay $0x1  }
0x10: {  	v6 =	vsub.s32 v4, v5  }
0x11: {  	v6 =	vshrl.u32 v6, $0x1  }
0x12: {  	v5 =	vadd.s32 v5, v6  }
0x13: {  	vm0 =	vlt.u32 v4, $0x4940;
	v6 =	vadd.s32 v4, v1;
	v4 =	vshrl.u32 v5, $0xB  }
0x14: {  	[tilespmem:s2], [sflag:$0x1] =	stream.linear.gather [hbm4b:s3+s2], $0x30, $0x38;
	v4 =	vsel vm0, v4, v6;
	[tilespmem:$0x13F60] =	vst v63  }
0x15: {  	_ =	swait.ge [sflag:s7], $0x30;
	v5 =	vmul.u32 $0x6, v4  }
0x16: {  	[sflag:s7] =	ssyncset.done $0x0  }
0x17: {  	[sflag:s7] =	ssyncadd.s32 $0xFFFFFFD0;
	v4 =	vadd.s32 $0x3, v5  }
0x18: {  	[tilespmem:s8], [sflag:$0x1] =	stream.linear.gather [hbm4b:s4+s2], $0x5730, $0x38;
	v7 =	vadd.s32 $0x4, v5;
	[tilespmem:$0x13F60] =	vst v63  }
0x19: {  	_ =	swait.ge [sflag:s7], $0x5730  }
0x1a: {  	[sflag:s7] =	ssyncset.done $0x0;
	v8 =	vadd.s32 $0x5, v5  }
0x1b: {  	[sflag:s7] =	ssyncadd.s32 $0xFFFFA8D0  }
0x1c: {  	v6 =	vld.idx.msk [tilespmem:v4+s2+$0x0], $0xffff  }
0x1d: {  	v7 =	vld.idx.msk [tilespmem:v7+s2+$0x0], $0xffff;
	_ =	sdelay $0x1  }
0x1e: {  	v8 =	vld.idx.msk [tilespmem:v8+s2+$0x0], $0xffff;
	_ =	sdelay $0x2  }
0x1f: {  	v4 =	vmul.f32 v6, v6;
	v9 =	vmul.f32 v7, v7;
	_ =	sdelay $0x1  }
0x20: {  	v11 =	vmul.f32 v8, v8;
	v10 =	vadd.f32 v9, v4;
	_ =	sdelay $0x1  }
0x21: {  	v10 =	vadd.f32 v11, v10;
	_ =	sdelay $0x1  }
0x22: {  	v12 =	vmax.f32 v10, $9.999999740e-05  }
0x23: {  	v13 =	vmul.f32 $2.755732000e-07, v12  }
0x24: {  	v14 =	vmul.f32 $2.755731880e-06, v12  }
0x25: {  	v13 =	vadd.f32 $-2.480158760e-05, v13  }
0x26: {  	v14 =	vadd.f32 $-1.984127010e-04, v14  }
0x27: {  	v13 =	vmul.f32 v13, v12  }
0x28: {  	v4 =	vsub.f32 v4, v10;
	v28 =	vsub.f32 v9, v10;
	v14 =	vmul.f32 v14, v12  }
0x29: {  	s11 =	simm.s32 $0x10;
	v9 =	vsub.f32 v11, v10;
	v13 =	vadd.f32 $1.388888920e-03, v13  }
0x2a: {  	v10 =	vshll.u32 v3, $0x4;
	v3 =	vor.u32 s11, v2;
	v11 =	vadd.f32 $8.333333770e-03, v14  }
0x2b: {  	v18 =	vadd.s32 v0, v3;
	v14 =	vmul.f32 v13, v12  }
0x2c: {  	v20 =	vmulhi.u32 $0x4F8B588F, v18;
	v11 =	vmul.f32 v11, v12  }
0x2d: {  	v16 =	vor.u32 $0x1, v5;
	v15 =	vadd.f32 $-4.166666790e-02, v14  }
0x2e: {  	v19 =	vadd.s32 $0x2, v5;
	v22 =	vsub.s32 v18, v20;
	v21 =	vadd.f32 $-1.666666720e-01, v11  }
0x2f: {  	v17 =	vor.u32 $0x1, v10;
	v22 =	vshrl.u32 v22, $0x1;
	v24 =	vmul.f32 v15, v12  }
0x30: {  	v23 =	vadd.s32 v18, v1;
	v20 =	vadd.s32 v20, v22;
	v12 =	vmul.f32 v21, v12  }
0x31: {  	vm15 =	vlt.u32 v18, $0x4940;
	v18 =	vshrl.u32 v20, $0xB;
	v22 =	vadd.f32 $5.000000000e-01, v24  }
0x32: {  	v13 =	vor.u32 $0x2, v10;
	v14 =	vor.u32 $0x3, v10;
	v24 =	vadd.f32 $1.000000000e+00, v12  }
0x33: {  	v11 =	vor.u32 $0x7, v10;
	v15 =	vor.u32 $0x5, v10;
	v25 =	vmul.f32 v22, v6  }
0x34: {  	v12 =	vsel vm15, v18, v23;
	v20 =	vmul.f32 v22, v4;
	v23 =	vmul.f32 v24, v7  }
0x35: {  	v21 =	vor.u32 $0x4, v10;
	v26 =	vmul.f32 v24, v8;
	v29 =	vmul.f32 v22, v7  }
0x36: {  	v4 =	vmul.u32 $0x6, v12;
	v31 =	vmul.f32 v22, v28;
	v27 =	vmul.f32 v25, v7  }
0x37: {  	v18 =	vld.idx.msk [tilespmem:v5+s2+$0x0], $0xffff;
	v28 =	vor.u32 $0x6, v10;
	v33 =	vadd.f32 $1.000000000e+00, v20;
	v25 =	vmul.f32 v25, v8  }
0x38: {  	v12 =	vld.idx.msk [tilespmem:v19+s2+$0x0], $0xffff;
	v20 =	vadd.s32 $0x3, v4;
	v19 =	vadd.s32 $0x4, v4;
	v32 =	vsub.f32 v27, v26  }
0x39: {  	v16 =	vld.idx.msk [tilespmem:v16+s2+$0x0], $0xffff;
	s11 =	simm.s32 $0x20;
	v5 =	vor.u32 $0x1, v4;
	v7 =	vadd.s32 $0x2, v4;
	v30 =	vadd.f32 v25, v23;
	[tilespmem:v10+s9+$0x0] =	vst.idx.msk $0xffff, v33  }
.LBB2_2:
0x3a: {  	p0 =	sne.s32 s11, $0xE70;
	v8 =	vmul.f32 v29, v8;
	v6 =	vmul.f32 v24, v6;
	[tilespmem:v17+s9+$0x0] =	vst.idx.msk $0xffff, v32;
	v17 =	vor.u32 $0x8, v10;
	s12 =	smov.u32 s11;
	s11 =	sadd.s32 $0x10, s11  }
0x3b: {  	v24 =	vadd.f32 v27, v26;
	v9 =	vmul.f32 v22, v9;
	v26 =	vadd.f32 $1.000000000e+00, v31;
	[tilespmem:v13+s9+$0x0] =	vst.idx.msk $0xffff, v30  }
0x3c: {  	v13 =	vsub.f32 v8, v6;
	v6 =	vadd.f32 v8, v6;
	[tilespmem:v14+s9+$0x0] =	vst.idx.msk $0xffff, v18;
	v8 =	vor.u32 $0x9, v10  }
0x3d: {  	v14 =	vsub.f32 v25, v23;
	v18 =	vor.u32 $0xA, v10;
	[tilespmem:v21+s9+$0x0] =	vst.idx.msk $0xffff, v24  }
0x3e: {  	v10 =	vor.u32 $0xB, v10;
	[tilespmem:v15+s9+$0x0] =	vst.idx.msk $0xffff, v26  }
0x3f: {  	[tilespmem:v28+s9+$0x0] =	vst.idx.msk $0xffff, v13  }
0x40: {  	v9 =	vadd.f32 $1.000000000e+00, v9;
	[tilespmem:v11+s9+$0x0] =	vst.idx.msk $0xffff, v16  }
0x41: {  	[tilespmem:v17+s9+$0x0] =	vst.idx.msk $0xffff, v14  }
0x42: {  	[tilespmem:v8+s9+$0x0] =	vst.idx.msk $0xffff, v6  }
0x43: {  	v8 =	vadd.s32 $0x5, v4;
	[tilespmem:v18+s9+$0x0] =	vst.idx.msk $0xffff, v9  }
0x44: {  	[tilespmem:v10+s9+$0x0] =	vst.idx.msk $0xffff, v12  }
0x45: {  	v6 =	vld.idx.msk [tilespmem:v20+s2+$0x0], $0xffff  }
0x46: {  	v19 =	vld.idx.msk [tilespmem:v19+s2+$0x0], $0xffff;
	_ =	sdelay $0x1  }
0x47: {  	v8 =	vld.idx.msk [tilespmem:v8+s2+$0x0], $0xffff;
	_ =	sdelay $0x3  }
0x48: {  	v9 =	vmul.f32 v6, v6;
	v10 =	vmul.f32 v19, v19;
	_ =	sdelay $0x1  }
0x49: {  	v11 =	vadd.f32 v10, v9;
	v12 =	vmul.f32 v8, v8;
	_ =	sdelay $0x1  }
0x4a: {  	v11 =	vadd.f32 v12, v11;
	_ =	sdelay $0x1  }
0x4b: {  	v15 =	vmax.f32 v11, $9.999999740e-05;
	v20 =	vsub.f32 v9, v11;
	v28 =	vsub.f32 v10, v11  }
0x4c: {  	v9 =	vsub.f32 v12, v11;
	v10 =	vmul.f32 $2.755731880e-06, v15;
	v13 =	vmul.f32 $2.755732000e-07, v15;
	_ =	sdelay $0x1  }
0x4d: {  	v10 =	vadd.f32 $-1.984127010e-04, v10;
	v11 =	vadd.f32 $-2.480158760e-05, v13;
	_ =	sdelay $0x1  }
0x4e: {  	v10 =	vmul.f32 v10, v15;
	v11 =	vmul.f32 v11, v15;
	_ =	sdelay $0x1  }
0x4f: {  	v12 =	vadd.f32 $8.333333770e-03, v10;
	v11 =	vadd.f32 $1.388888920e-03, v11  }
0x50: {  	v10 =	vshll.u32 v3, $0x4  }
0x51: {  	v3 =	vor.u32 s12, v2;
	v13 =	vor.u32 $0x2, v10;
	v11 =	vmul.f32 v11, v15  }
0x52: {  	v23 =	vadd.s32 v0, v3;
	v17 =	vor.u32 $0x1, v10;
	v18 =	vld.idx.msk [tilespmem:v4+s2+$0x0], $0xffff;
	v4 =	vmul.f32 v12, v15  }
0x53: {  	v14 =	vor.u32 $0x3, v10;
	v21 =	vmulhi.u32 $0x4F8B588F, v23;
	v12 =	vld.idx.msk [tilespmem:v7+s2+$0x0], $0xffff;
	v7 =	vadd.f32 $-4.166666790e-02, v11  }
0x54: {  	v25 =	vadd.s32 v23, v1;
	v11 =	vor.u32 $0x7, v10;
	v16 =	vld.idx.msk [tilespmem:v5+s2+$0x0], $0xffff;
	v4 =	vadd.f32 $-1.666666720e-01, v4  }
0x55: {  	v5 =	vsub.s32 v23, v21;
	v7 =	vmul.f32 v7, v15  }
0x56: {  	v5 =	vshrl.u32 v5, $0x1;
	v4 =	vmul.f32 v4, v15;
	v15 =	vor.u32 $0x5, v10  }
0x57: {  	v5 =	vadd.s32 v21, v5;
	v21 =	vor.u32 $0x4, v10;
	v22 =	vadd.f32 $5.000000000e-01, v7  }
0x58: {  	vm0 =	vlt.u32 v23, $0x4940;
	v5 =	vshrl.u32 v5, $0xB;
	v24 =	vadd.f32 $1.000000000e+00, v4  }
0x59: {  	v4 =	vsel vm0, v5, v25;
	v5 =	vmul.f32 v22, v6;
	v7 =	vmul.f32 v22, v20  }
.Ltmp0:
0x5a: {  	v4 =	vmul.u32 $0x6, v4;
	v23 =	vmul.f32 v24, v19;
	v26 =	vmul.f32 v24, v8;
	(pc) =	sbr.rel @p0 .LBB2_2-.Ltmp0, $4  }
0x5b: {  	v29 =	vmul.f32 v22, v19;
	v27 =	vmul.f32 v5, v19;
	v33 =	vadd.f32 $1.000000000e+00, v7  }
0x5c: {  	v20 =	vadd.s32 $0x3, v4;
	v19 =	vadd.s32 $0x4, v4;
	v25 =	vmul.f32 v5, v8  }
0x5d: {  	v5 =	vor.u32 $0x1, v4;
	v7 =	vadd.s32 $0x2, v4;
	v32 =	vsub.f32 v27, v26  }
0x5e: {  	v31 =	vmul.f32 v22, v28;
	v28 =	vor.u32 $0x6, v10;
	v30 =	vadd.f32 v25, v23;
	[tilespmem:v10+s9+$0x0] =	vst.idx.msk $0xffff, v33  }
0x5f: {  	_ =	sdelay $0x3  }
0x60: {  	v8 =	vmul.f32 v29, v8;
	[tilespmem:v17+s9+$0x0] =	vst.idx.msk $0xffff, v32  }
0x61: {  	v6 =	vmul.f32 v24, v6;
	v61 =	vadd.f32 v27, v26;
	[tilespmem:v13+s9+$0x0] =	vst.idx.msk $0xffff, v30  }
0x62: {  	v62 =	vor.u32 $0x8, v10;
	v63 =	vadd.f32 $1.000000000e+00, v31;
	[tilespmem:v14+s9+$0x0] =	vst.idx.msk $0xffff, v18  }
0x63: {  	v27 =	vor.u32 $0x9, v10;
	v26 =	vsub.f32 v8, v6;
	[tilespmem:v21+s9+$0x0] =	vst.idx.msk $0xffff, v61  }
0x64: {  	v29 =	vor.u32 $0xA, v10;
	[tilespmem:v15+s9+$0x0] =	vst.idx.msk $0xffff, v63  }
0x65: {  	v9 =	vmul.f32 v22, v9;
	v30 =	vsub.f32 v25, v23;
	v31 =	vor.u32 $0xB, v10;
	[tilespmem:v28+s9+$0x0] =	vst.idx.msk $0xffff, v26  }
0x66: {  	v6 =	vadd.f32 v8, v6;
	[tilespmem:v11+s9+$0x0] =	vst.idx.msk $0xffff, v16  }
0x67: {  	v32 =	vadd.f32 $1.000000000e+00, v9;
	[tilespmem:v62+s9+$0x0] =	vst.idx.msk $0xffff, v30  }
0x68: {  	[tilespmem:v27+s9+$0x0] =	vst.idx.msk $0xffff, v6  }
0x69: {  	v33 =	vadd.s32 $0x5, v4;
	[tilespmem:v29+s9+$0x0] =	vst.idx.msk $0xffff, v32  }
0x6a: {  	[tilespmem:v31+s9+$0x0] =	vst.idx.msk $0xffff, v12  }
0x6b: {  	v8 =	vld.idx.msk [tilespmem:v20+s2+$0x0], $0xffff  }
0x6c: {  	v34 =	vld.idx.msk [tilespmem:v19+s2+$0x0], $0xffff;
	_ =	sdelay $0x1  }
0x6d: {  	v6 =	vld.idx.msk [tilespmem:v33+s2+$0x0], $0xffff;
	_ =	sdelay $0x2  }
0x6e: {  	v35 =	vmul.f32 v8, v8;
	v36 =	vmul.f32 v34, v34;
	_ =	sdelay $0x1  }
0x6f: {  	v38 =	vmul.f32 v6, v6;
	v37 =	vadd.f32 v36, v35;
	_ =	sdelay $0x1  }
0x70: {  	v12 =	vadd.f32 v38, v37;
	_ =	sdelay $0x1  }
0x71: {  	v39 =	vmax.f32 v12, $9.999999740e-05  }
0x72: {  	v40 =	vmul.f32 $2.755732000e-07, v39;
	_ =	sdelay $0x1  }
0x73: {  	v41 =	vmul.f32 $2.755731880e-06, v39;
	v15 =	vadd.f32 $-2.480158760e-05, v40;
	_ =	sdelay $0x1  }
0x74: {  	v16 =	vadd.f32 $-1.984127010e-04, v41;
	v15 =	vmul.f32 v15, v39;
	_ =	sdelay $0x1  }
0x75: {  	v16 =	vmul.f32 v16, v39;
	v15 =	vadd.f32 $1.388888920e-03, v15;
	_ =	sdelay $0x1  }
0x76: {  	v16 =	vadd.f32 $8.333333770e-03, v16;
	v15 =	vmul.f32 v15, v39;
	_ =	sdelay $0x1  }
0x77: {  	v16 =	vmul.f32 v16, v39;
	v15 =	vadd.f32 $-4.166666790e-02, v15;
	_ =	sdelay $0x1  }
0x78: {  	v16 =	vadd.f32 $-1.666666720e-01, v16;
	v15 =	vmul.f32 v15, v39;
	_ =	sdelay $0x1  }
0x79: {  	v14 =	vmul.f32 v16, v39;
	v15 =	vadd.f32 $5.000000000e-01, v15  }
0x7a: {  	v3 =	vshll.u32 v3, $0x4;
	v10 =	vsub.f32 v35, v12  }
0x7b: {  	v43 =	vor.u32 $0x2, v3;
	v14 =	vadd.f32 $1.000000000e+00, v14;
	v42 =	vmul.f32 v15, v8  }
0x7c: {  	v44 =	vor.u32 $0x1, v3;
	v46 =	vor.u32 $0x3, v3;
	v10 =	vmul.f32 v15, v10  }
0x7d: {  	v50 =	vor.u32 $0x4, v3;
	v47 =	vmul.f32 v14, v6;
	v48 =	vmul.f32 v42, v34  }
0x7e: {  	v45 =	vld.idx.msk [tilespmem:v4+s2+$0x0], $0xffff;
	v49 =	vmul.f32 v14, v34;
	v10 =	vadd.f32 $1.000000000e+00, v10;
	v16 =	vmul.f32 v42, v6  }
0x7f: {  	v52 =	vor.u32 $0x5, v3;
	v7 =	vld.idx.msk [tilespmem:v7+s2+$0x0], $0xffff;
	v11 =	vsub.f32 v36, v12;
	v51 =	vsub.f32 v48, v47  }
0x80: {  	v5 =	vld.idx.msk [tilespmem:v5+s2+$0x0], $0xffff;
	v9 =	vmul.f32 v15, v34;
	v53 =	vadd.f32 v16, v49;
	[tilespmem:v3+s9+$0x0] =	vst.idx.msk $0xffff, v10  }
0x81: {  	v55 =	vor.u32 $0x6, v3;
	v54 =	vmul.f32 v15, v11;
	v8 =	vmul.f32 v14, v8;
	[tilespmem:v44+s9+$0x0] =	vst.idx.msk $0xffff, v51  }
0x82: {  	v56 =	vor.u32 $0x7, v3;
	v6 =	vmul.f32 v9, v6;
	v57 =	vadd.f32 v48, v47;
	[tilespmem:v43+s9+$0x0] =	vst.idx.msk $0xffff, v53  }
0x83: {  	v58 =	vor.u32 $0x8, v3;
	v10 =	vadd.f32 $1.000000000e+00, v54;
	[tilespmem:v46+s9+$0x0] =	vst.idx.msk $0xffff, v45  }
0x84: {  	v61 =	vor.u32 $0x9, v3;
	v59 =	vsub.f32 v38, v12;
	v60 =	vsub.f32 v6, v8;
	[tilespmem:v50+s9+$0x0] =	vst.idx.msk $0xffff, v57  }
0x85: {  	v62 =	vor.u32 $0xA, v3;
	[tilespmem:v52+s9+$0x0] =	vst.idx.msk $0xffff, v10  }
0x86: {  	v4 =	vmul.f32 v15, v59;
	v63 =	vsub.f32 v16, v49;
	v3 =	vor.u32 $0xB, v3;
	[tilespmem:v55+s9+$0x0] =	vst.idx.msk $0xffff, v60  }
0x87: {  	v6 =	vadd.f32 v6, v8;
	[tilespmem:v56+s9+$0x0] =	vst.idx.msk $0xffff, v5  }
0x88: {  	v4 =	vadd.f32 $1.000000000e+00, v4;
	[tilespmem:v58+s9+$0x0] =	vst.idx.msk $0xffff, v63  }
0x89: {  	s10 =	sadd.s32 $0x1, s10;
	[tilespmem:v61+s9+$0x0] =	vst.idx.msk $0xffff, v6  }
0x8a: {  	p0 =	sne.s32 s10, s6;
	[tilespmem:v62+s9+$0x0] =	vst.idx.msk $0xffff, v4  }
.Ltmp1:
0x8b: {  	[tilespmem:v3+s9+$0x0] =	vst.idx.msk $0xffff, v7;
	(pc) =	sbr.rel @p0 .LBB2_1-.Ltmp1, $4  }
0x8c: {  	[hbm4b:s5+s2] =	stream.linear.scatter [tilespmem:s9], [sflag:$0x1], $0xE800, $0x38;
	[tilespmem:$0x13F60] =	vst v63  }
0x8d: {  	_ =	swait.ge [sflag:s7], $0xE800  }
0x8e: {  	[sflag:s7] =	ssyncset.done $0x0  }
0x8f: {  	[sflag:s7] =	ssyncadd.s32 $0xFFFF1800  }
0x90: {  	_ =	sfence.sel $0x180000  }
0x91: {  	[bflag:$0x0] =	sbarrier.arrive $0xFFFF  }
0x92: {  	p0 =	sne.s32 s0, $0x0;
	_ =	strace $0x90000047  }
0x93: {  	s0 =	sadd.s32 @!p0 $0x100000, s1;
	[bflag:$0x2] =	sbarrier.arrive $0xFFFF  }
0x94: {  	[sflag:s0] =	ssyncadd.tile.s32 @!p0 $0x1;
	_ =	shalt  }
.Lfunc_end2:
_tile_overlayer_lowered:
.L_overlay_start_2:
0x95: {  	(tag) =	ssettag $0x2  }
0x96: {  	s0 =	rddreg [dreg:$0x0];
	s2 =	stileid.u32  }
0x97: {  	s1 =	rddreg [dreg:$0x1];
	p0 =	sne.s32 s2, $0x0  }
0x98: {  	s3 =	rddreg [dreg:$0x2];
	[bflag:$0x3] =	sbarrier.arrive $0xFFFF;
	s2 =	simm.s32 @!p0 $0x1C01  }
0x99: {  	[timem:s3], [sflag:s2] =	dma.local @!p0 [hbm:s0], s1  }
0x9a: {  	s0 =	simm.s32 @!p0 $0x1  }
0x9b: {  	_ =	swait.ge @!p0 [sflag:s0], s1  }
0x9c: {  	s1 =	ssub.s32 @!p0 $0x0, s1;
	[sflag:s0] =	ssyncset.done @!p0 $0x0  }
0x9d: {  	[sflag:s0] =	ssyncadd.s32 @!p0 s1  }
0x9e: {  	[bflag:$0x3] =	sbarrier.arrive $0xFFFF  }
0x9f: {  	_ =	shalt  }

// kernel: kernel.7.cloned.1.call-start
scs
__scs_entry_jumppad:
0x0: {  	(pc) =	sbr.rel $0x88, $3  }
0x1: {  	(tag) =	ssettag $0x0;
	lr =	simm.s32 $0x1  }
0x2: {  	[smem:$0x3F9E] =	sst lr;
	_ =	strace $0xD0000000  }
0x3: {  	_ = 	snop  }
0x4: {  	_ = 	snop  }
0x5: {  	_ = 	snop  }
0x6: {  	_ = 	snop  }
0x7: {  	_ = 	snop  }
__scs_overlays_trampoline_lowered:
0x8: {  	[smem:$0x3FAD] =	sst s0  }
0x9: {  	[smem:$0x3FAE] =	sst s1  }
0xa: {  	[smem:$0x3FAF] =	sst s2  }
0xb: {  	[smem:$0x3FB0] =	sst s3  }
0xc: {  	[smem:$0x3FB1] =	sst s4  }
0xd: {  	[smem:$0x3FB2] =	sst s5  }
0xe: {  	[smem:$0x3FB3] =	sst s6  }
0xf: {  	[smem:$0x3FB4] =	sst s7  }
0x10: {  	[smem:$0x3FB5] =	sst s8  }
0x11: {  	[smem:$0x3FB6] =	sst s9;
	s0 =	simm.s32 @!p0 $0x0  }
0x12: {  	s1 =	sld [smem:$0x3F9C];
	s0 =	simm.s32 @p0 $0x1  }
0x13: {  	[smem:$0x3FB7] =	sst s0;
	s0 =	simm.s32 @!p1 $0x0  }
0x14: {  	s2 =	sld [smem:$0x3F9B];
	s0 =	simm.s32 @p1 $0x1  }
0x15: {  	[smem:$0x3FB8] =	sst s0;
	s0 =	simm.s32 @!p2 $0x0  }
0x16: {  	s3 =	sld [smem:$0x3FDB];
	s0 =	simm.s32 @p2 $0x1  }
0x17: {  	s4 =	simm.s32 $0x1BF5;
	[smem:$0x3FBA] =	sst s0  }
0x18: {  	s0 =	sld [smem:$0x3F9D];
	_ =	swait.ge [sflag:s4], $0x0  }
0x19: {  	s7 =	sld [smem:$0x3F9E]  }
0x1a: {  	s8 =	sadd.s32 $0xFFFFE003, lr  }
0x1b: {  	s9 =	sadd.s32 $0xFFFFFEF7, lr;
	s5 =	simm.s32 $0xFFFFFFFF;
	p2 =	slt.u32 s8, $0xFFFFF086  }
0x1c: {  	p1 =	slt.u32 s9, $0xF7A;
	s5 =	simm.s32 @!p2 $0x0  }
0x1d: {  	s5 =	simm.s32 @p1 $0x1;
	p0 =	seq.s32 s7, s2  }
0x1e: {  	s7 =	smul.u32 @!p0 $0xF7A, s2;
	p2 =	seq.s32 @!p0 s5, $0x0  }
0x1f: {  	s9 =	smul.u32 $0xF7A, s1;
	s8 =	simm.s32 @!p0 $0x1BF5;
	p2 =	por !p2, p0  }
0x20: {  	[sflag:s8] =	ssyncset.s32 @!p0 $0xFFFFF086;
	s6 =	sadd.s32 @!p0 s3, s7;
	s7 =	simm.s32 @!p0 $0x108  }
0x21: {  	s3 =	sadd.s32 s3, s9;
	s6 =	sadd.s32 @!p0 $0x88, s6;
	s7 =	simm.s32 @p2 $0x1082  }
0x22: {  	[simem:s7], [sflag:s8] =	dma.local @!p0 [hbm:s6], $0xF7A  }
0x23: {  	s9 =	sor.u32 $0xD0000000, s2;
	s6 =	simm.s32 $0x108;
	_ =	swait.ge @!p0 [sflag:s8], $0x0  }
0x24: {  	s3 =	sadd.s32 $0x88, s3;
	s6 =	simm.s32 @!p1 $0x1082;
	[sflag:s4] =	ssyncset.s32 $0xFFFFF086  }
0x25: {  	[simem:s6], [sflag:s4] =	dma.local [hbm:s3], $0xF7A  }
0x26: {  	[smem:$0x3F9E] =	sst s1;
	(tag) =	ssettag s2;
	_ =	strace s9  }
0x27: {  	s1 =	sld [smem:$0x3FAE]  }
0x28: {  	s2 =	sld [smem:$0x3FAF]  }
0x29: {  	s4 =	sld [smem:$0x3FB1]  }
0x2a: {  	p0 =	seq.s32 s5, $0x0;
	s5 =	sld [smem:$0x3FB2]  }
0x2b: {  	s6 =	sld [smem:$0x3FB3]  }
0x2c: {  	s7 =	sld [smem:$0x3FB4]  }
0x2d: {  	s3 =	simm.s32 $0x108;
	s8 =	sld [smem:$0x3FB5]  }
0x2e: {  	s3 =	simm.s32 @!p0 $0x1082;
	s9 =	sld [smem:$0x3FB6]  }
0x2f: {  	lr =	sadd.s32 s0, s3;
	s0 =	sld [smem:$0x3FAD]  }
0x30: {  	s3 =	sld [smem:$0x3FB0]  }
0x31: {  	[smem:$0x3FB9] =	sst s10  }
0x32: {  	s10 =	sld [smem:$0x3FB7];
	_ =	sdelay $0x3  }
0x33: {  	p0 =	seq.s32 s10, $0x1;
	s10 =	sld [smem:$0x3FB9];
	_ =	sdelay $0x3  }
0x34: {  	[smem:$0x3FB9] =	sst s10  }
0x35: {  	s10 =	sld [smem:$0x3FB8];
	_ =	sdelay $0x3  }
0x36: {  	p1 =	seq.s32 s10, $0x1;
	s10 =	sld [smem:$0x3FB9];
	_ =	sdelay $0x3  }
0x37: {  	[smem:$0x3FB9] =	sst s10  }
0x38: {  	s10 =	sld [smem:$0x3FBA]  }
0x39: {  	_ = 	snop;
	(pc) =	sbr.ind lr, $3  }
0x3a: {  	_ = 	snop  }
0x3b: {  	_ = 	snop  }
0x3c: {  	p2 =	seq.s32 s10, $0x1;
	s10 =	sld [smem:$0x3FB9]  }
0x3d: {  	_ =	shalt  }
0x3e: {  	_ =	shalt  }
0x3f: {  	_ =	shalt  }
0x40: {  	_ =	shalt  }
0x41: {  	_ =	shalt  }
0x42: {  	_ =	shalt  }
0x43: {  	_ =	shalt  }
0x44: {  	_ =	shalt  }
0x45: {  	_ =	shalt  }
0x46: {  	_ =	shalt  }
0x47: {  	_ =	shalt  }
0x48: {  	_ =	shalt  }
0x49: {  	_ =	shalt  }
0x4a: {  	_ =	shalt  }
0x4b: {  	_ =	shalt  }
0x4c: {  	_ =	shalt  }
0x4d: {  	_ =	shalt  }
0x4e: {  	_ =	shalt  }
0x4f: {  	_ =	shalt  }
0x50: {  	_ =	shalt  }
0x51: {  	_ =	shalt  }
0x52: {  	_ =	shalt  }
0x53: {  	_ =	shalt  }
0x54: {  	_ =	shalt  }
0x55: {  	_ =	shalt  }
0x56: {  	_ =	shalt  }
0x57: {  	_ =	shalt  }
0x58: {  	_ =	shalt  }
0x59: {  	_ =	shalt  }
0x5a: {  	_ =	shalt  }
0x5b: {  	_ =	shalt  }
0x5c: {  	_ =	shalt  }
0x5d: {  	_ =	shalt  }
0x5e: {  	_ =	shalt  }
0x5f: {  	_ =	shalt  }
0x60: {  	_ =	shalt  }
0x61: {  	_ =	shalt  }
0x62: {  	_ =	shalt  }
0x63: {  	_ =	shalt  }
0x64: {  	_ =	shalt  }
0x65: {  	_ =	shalt  }
0x66: {  	_ =	shalt  }
0x67: {  	_ =	shalt  }
0x68: {  	_ =	shalt  }
0x69: {  	_ =	shalt  }
0x6a: {  	_ =	shalt  }
0x6b: {  	_ =	shalt  }
0x6c: {  	_ =	shalt  }
0x6d: {  	_ =	shalt  }
0x6e: {  	_ =	shalt  }
0x6f: {  	_ =	shalt  }
0x70: {  	_ =	shalt  }
0x71: {  	_ =	shalt  }
0x72: {  	_ =	shalt  }
0x73: {  	_ =	shalt  }
0x74: {  	_ =	shalt  }
0x75: {  	_ =	shalt  }
0x76: {  	_ =	shalt  }
0x77: {  	_ =	shalt  }
0x78: {  	_ =	shalt  }
0x79: {  	_ =	shalt  }
0x7a: {  	_ =	shalt  }
0x7b: {  	_ =	shalt  }
0x7c: {  	_ =	shalt  }
0x7d: {  	_ =	shalt  }
0x7e: {  	_ =	shalt  }
0x7f: {  	_ =	shalt  }
0x80: {  	_ =	shalt  }
0x81: {  	_ =	shalt  }
0x82: {  	_ =	shalt  }
0x83: {  	_ =	shalt  }
0x84: {  	_ =	shalt  }
0x85: {  	_ =	shalt  }
0x86: {  	_ =	shalt  }
0x87: {  	_ =	shalt  }
.Lfunc_end0:
.L_simem_size_0:
called_computation.2_lowered:
.L_overlay_start_0:
0x88: {  	s2 =	sld [smem:$0x3FD9]  }
0x89: {  	s3 =	sld [smem:$0x3FFE];
	_ =	sdelay $0x1  }
0x8a: {  	s1 =	srdreg.scid  }
0x8b: {  	s0 =	sand.u32 $0x1, s1  }
0x8c: {  	s17 =	sshll.u32 s0, $0xA;
	s2 =	sadd.s32 s3, s2  }
0x8d: {  	s2 =	sadd.s32 s2, s17  }
0x8e: {  	[smem:$0x3FC5] =	sst s2  }
0x8f: {  	_ = 	snop  }
0x90: {  	s2 =	sld [smem:$0x3FC9]  }
0x91: {  	s18 =	sld [smem:$0x3FD0];
	(tm) =	ssettm $0x1  }
0x92: {  	s4 =	sld [smem:$0x3FFB];
	_ =	sdelay $0x3  }
0x93: {  	_ =	strace s4  }
0x94: {  	s4 =	sld [smem:$0x3FFC];
	_ =	sdelay $0x3  }
0x95: {  	_ =	strace s4  }
0x96: {  	s4 =	sld [smem:$0x3FFD];
	_ =	sdelay $0x3  }
0x97: {  	_ =	strace s4  }
0x98: {  	_ =	strace $0x8FFFFFFF  }
0x99: {  	s19 =	sld [smem:$0x3FDB];
	_ =	sdelay $0x1  }
0x9a: {  	s5 =	simm.s32 $_scs_section_size  }
0x9b: {  	s6 =	simm.s32 $_size__tile_overlayer_lowered;
	s7 =	simm.s32 $_tile_overlayer_lowered  }
0x9c: {  	s22 =	simm.s32 $0x1BFF;
	s21 =	sshll.u32 s7, $0x1;
	s4 =	sadd.s32 s5, s19  }
0x9d: {  	s8 =	simm.s32 $0x0;
	s20 =	sshll.u32 s6, $0x1;
	s6 =	sadd.s32 s21, s4  }
0x9e: {  	[timem:s8], [sflag:s22] =	dma.local [hbm:s6], s20  }
0x9f: {  	_ =	swait.ge [sflag:s22], s20  }
0xa0: {  	s5 =	ssub.s32 $0x0, s20;
	[sflag:s22] =	ssyncset.done $0x0  }
0xa1: {  	[sflag:s22] =	ssyncadd.s32 s5;
	_ =	sdelay $0x1  }
0xa2: {  	s23 =	simm.s32 $0x1B8B  }
0xa3: {  	_ =	swait.ge [sflag:s23], $0x1  }
0xa4: {  	[sflag:s23] =	ssyncset.done $0x0  }
0xa5: {  	s25 =	simm.s32 $0x1B8E;
	s24 =	sld [smem:$0x3FFE];
	[sflag:s23] =	ssyncadd.s32 $0xFFFFFFFF  }
0xa6: {  	s26 =	simm.s32 $execute0_lowered;
	[smem:$0x3FD2] =	sst s25  }
0xa7: {  	s6 =	sshll.u32 s26, $0x1;
	_ =	strace $0x80000049;
	[dreg:$0x1] =	wrdreg $0xFFFFFFFF  }
0xa8: {  	s28 =	simm.s32 $_size_execute0_lowered;
	s4 =	sadd.s32 s4, s6;
	[dreg:$0x0] =	wrdreg $0x0  }
0xa9: {  	s6 =	sshll.u32 s28, $0x1;
	[dreg:$0x2] =	wrdreg s4  }
0xaa: {  	[dreg:$0x3] =	wrdreg s6  }
0xab: {  	[dreg:$0x4] =	wrdreg $0xC0  }
0xac: {  	_ =	task [dreg:s8], $0x5FFFF  }
0xad: {  	[dreg:$0x1] =	wrdreg $0xFFFFFFFF  }
0xae: {  	[dreg:$0x0] =	wrdreg $0x60  }
0xaf: {  	[dreg:$0x2] =	wrdreg s2  }
0xb0: {  	[dreg:$0x3] =	wrdreg s18  }
0xb1: {  	[dreg:$0x4] =	wrdreg s24  }
0xb2: {  	[dreg:$0x5] =	wrdreg $0x9  }
0xb3: {  	_ =	task.clear_ibuf [dreg:s8], $0x6FFFF;
	_ =	strace $0x90000049  }
0xb4: {  	s29 =	simm.s32 $0x9;
	_ =	strace $0x8000004B  }
0xb5: {  	_ =	swait.ge [sflag:s29], $0x1  }
0xb6: {  	[sflag:s29] =	ssyncadd.s32 $0xFFFFFFFF  }
0xb7: {  	_ =	strace $0x9000004B  }
0xb8: {  	_ =	sfence  }
0xb9: {  	s30 =	sld [smem:$0x0];
	_ =	sdelay $0x2  }
0xba: {  	s31 =	sshll.u32 s1, $0xD;
	s1 =	sshrl.u32 s1, $0x2  }
0xbb: {  	s3 =	sand.u32 $0x4000, s31;
	s1 =	sadd.s32 s1, s30  }
0xbc: {  	s0 =	sor.u32 s3, s0;
	s1 =	sshll.u32 s1, $0x11  }
0xbd: {  	s0 =	sor.u32 s1, s0  }
0xbe: {  	s0 =	sadd.s32 $0x8F2B, s0  }
0xbf: {  	[sflag:s0] =	ssyncadd.remote.s32 $0x1  }
0xc0: {  	_ =	sfence.sel $0xFFFF  }
0xc1: {  	[dreg:$0x0] =	wrdreg $0xFFFFFFFF;
	(pc) =	sbr.abs _section_cstart, $3  }
0xc2: {  	[dreg:$0x1] =	wrdreg $0xFFFFFFFF  }
0xc3: {  	_ =	task.clear_ibuf [dreg:s8], $0x2FFFF;
	_ =	strace $0x9FFFFFFF  }
0xc4: {  	(tm) =	ssettm $0x7FFFFFFF  }
0xc5: {  	_ =	shalt  }
tec
execute0_lowered:
.L_overlay_start_1:
0x0: {  	(tag) =	ssettag $0x1  }
0x1: {  	s2 =	rddreg [dreg:$0x1]  }
0x2: {  	s0 =	rddreg [dreg:$0x2]  }
0x3: {  	s1 =	srdreg.scid;
	s3 =	simm.s32 $0x0;
	s5 =	stileid.u32  }
0x4: {  	s8 =	simm.s32 $0x2;
	s9 =	simm.s32 $0x80;
	s11 =	simm.s32 $0x1000  }
0x5: {  	s23 =	simm.s32 $0x4000;
	s28 =	simm.s32 $0x5000;
	s29 =	simm.s32 $0xC80  }
0x6: {  	s30 =	simm.s32 $0x5800;
	s31 =	simm.s32 $0xD00;
	s7 =	simm.s32 $0x6800  }
0x7: {  	s10 =	simm.s32 $0xE80;
	s12 =	simm.s32 $0x7800;
	s13 =	simm.s32 $0xF00  }
0x8: {  	s14 =	simm.s32 $0x8000;
	s15 =	simm.s32 $0xF80;
	s16 =	simm.s32 $0x8800  }
0x9: {  	s17 =	simm.s32 $0x1;
	s19 =	simm.s32 $0x0;
	s1 =	sand.u32 $0x1, s1  }
0xa: {  	[smem:$0x7FF] =	sst s3;
	s25 =	sshll.u32 s5, $0x10;
	s5 =	sadd.s32 $0xC00, s0  }
0xb: {  	s0 =	simm.s32 $0x6000;
	s24 =	ssub.s32 $0x2, s1;
	s1 =	sshll.u32 s1, $0xF  }
0xc: {  	_ =	strace $0x8000004A;
	s4 =	sshrl.u32 s24, $0x1;
	s6 =	sor.u32 s1, s25  }
0xd: {  	s25 =	simm.s32 $0x4800;
	s1 =	simm.s32 $0xE00;
	s3 =	ssub.s32 s24, s4  }
0xe: {  	s24 =	simm.s32 $0xB80;
	s4 =	simm.s32 $0xD80;
	s26 =	smax.u32 s3, $0x1  }
0xf: {  	s3 =	simm.s32 $0x7000;
	[dreg:$0x4] =	wrdreg s26;
	s26 =	simm.s32 $0xC00  }
.LBB2_1:
0x10: {  	[dreg:$0x5] =	wrdreg s19;
	s18 =	simm.s32 $0x0  }
.LBB2_2:
0x11: {  	s19 =	sshll.u32 s18, $0xB  }
0x12: {  	s19 =	sadd.s32 s6, s19  }
0x13: {  	s21 =	rddreg [dreg:$0x0];
	s20 =	sshrl.u32 s19, $0x3  }
0x14: {  	s22 =	simm.s32 $0x0;
	s20 =	sadd.s32 s21, s20  }
0x15: {  	[tilespmem:s22], [sflag:$0x2] =	stream.linear.gather [hbm4b:s20+s22], $0x800, $0x38;
	[tilespmem:$0x9000] =	vst v63  }
0x16: {  	_ =	swait.ge [sflag:s8], $0x800  }
0x17: {  	[sflag:s8] =	ssyncset.done $0x0  }
0x18: {  	s20 =	simm.s32 $0x0;
	[sflag:s8] =	ssyncadd.s32 $0xFFFFF800  }
0x19: {  	v0 =	vld [tilespmem:s20+$0x0]  }
0x1a: {  	s21 =	simm.s32 $0x40  }
.LBB2_3:
0x1b: {  	p0 =	sne.s32 s21, $0x1FC0  }
.Ltmp0:
0x1c: {  	_ = 	snop;
	(pc) =	sbr.rel @p0 .LBB2_3-.Ltmp0, $4  }
0x1d: {  	_ = 	snop  }
0x1e: {  	s22 =	sshra.s32 s21, $0x2;
	s21 =	sadd.s32 $0x40, s21;
	vm0 =	vlt.s32 v0, $0x927C0;
	v1 =	vshra.s32 v0, $0x5;
	v2 =	vadd.s32 $0xFFF72180, v0  }
0x1f: {  	v0 =	vld [tilespmem:s22+$0x0];
	v1 =	vsel vm0, v1, v2  }
0x20: {  	[tilespmem:s20+$0x800] =	vst v1;
	s20 =	smov.u32 s22  }
0x21: {  	_ =	sdelay $0x2  }
0x22: {  	vm0 =	vlt.s32 v0, $0x927C0;
	v1 =	vshra.s32 v0, $0x5;
	v63 =	vadd.s32 $0xFFF72180, v0  }
0x23: {  	v0 =	vsel vm0, v1, v63  }
0x24: {  	s21 =	simm.s32 $0x800;
	[tilespmem:s20+$0x800] =	vst v0  }
0x25: {  	[tilespmem:s11], [sflag:$0x1] =	stream.indirect.gather [hbm4b:s2+s9], $0x10, s21, s9, $0xb8;
	[tilespmem:$0x9000] =	vst v63  }
0x26: {  	s22 =	simm.s32 $0x880;
	s21 =	simm.s32 $0x1800  }
0x27: {  	[tilespmem:s21], [sflag:$0x1] =	stream.indirect.gather [hbm4b:s2+s9], $0x10, s22, s9, $0xb8;
	[tilespmem:$0x9000] =	vst v63  }
0x28: {  	s21 =	simm.s32 $0x900;
	s22 =	simm.s32 $0x2000  }
0x29: {  	[tilespmem:s22], [sflag:$0x1] =	stream.indirect.gather [hbm4b:s2+s9], $0x10, s21, s9, $0xb8;
	[tilespmem:$0x9000] =	vst v63  }
0x2a: {  	s21 =	simm.s32 $0x980;
	s22 =	simm.s32 $0x2800  }
0x2b: {  	[tilespmem:s22], [sflag:$0x1] =	stream.indirect.gather [hbm4b:s2+s9], $0x10, s21, s9, $0xb8;
	[tilespmem:$0x9000] =	vst v63  }
0x2c: {  	s21 =	simm.s32 $0xA00;
	s22 =	simm.s32 $0x3000  }
0x2d: {  	[tilespmem:s22], [sflag:$0x1] =	stream.indirect.gather [hbm4b:s2+s9], $0x10, s21, s9, $0xb8;
	[tilespmem:$0x9000] =	vst v63  }
0x2e: {  	s21 =	simm.s32 $0xA80;
	s22 =	simm.s32 $0x3800  }
0x2f: {  	[tilespmem:s22], [sflag:$0x1] =	stream.indirect.gather [hbm4b:s2+s9], $0x10, s21, s9, $0xb8;
	[tilespmem:$0x9000] =	vst v63  }
0x30: {  	s21 =	simm.s32 $0xB00  }
0x31: {  	[tilespmem:s23], [sflag:$0x1] =	stream.indirect.gather [hbm4b:s2+s9], $0x10, s21, s9, $0xb8;
	[tilespmem:$0x9000] =	vst v63  }
0x32: {  	_ = 	snop  }
0x33: {  	[tilespmem:s25], [sflag:$0x1] =	stream.indirect.gather [hbm4b:s2+s9], $0x10, s24, s9, $0xb8;
	[tilespmem:$0x9000] =	vst v63  }
0x34: {  	_ = 	snop  }
0x35: {  	[tilespmem:s28], [sflag:$0x1] =	stream.indirect.gather [hbm4b:s2+s9], $0x10, s26, s9, $0xb8;
	[tilespmem:$0x9000] =	vst v63  }
0x36: {  	_ = 	snop  }
0x37: {  	[tilespmem:s30], [sflag:$0x1] =	stream.indirect.gather [hbm4b:s2+s9], $0x10, s29, s9, $0xb8;
	[tilespmem:$0x9000] =	vst v63  }
0x38: {  	_ = 	snop  }
0x39: {  	[tilespmem:s0], [sflag:$0x1] =	stream.indirect.gather [hbm4b:s2+s9], $0x10, s31, s9, $0xb8;
	[tilespmem:$0x9000] =	vst v63  }
0x3a: {  	_ = 	snop  }
0x3b: {  	[tilespmem:s7], [sflag:$0x1] =	stream.indirect.gather [hbm4b:s2+s9], $0x10, s4, s9, $0xb8;
	[tilespmem:$0x9000] =	vst v63  }
0x3c: {  	_ = 	snop  }
0x3d: {  	[tilespmem:s3], [sflag:$0x1] =	stream.indirect.gather [hbm4b:s2+s9], $0x10, s1, s9, $0xb8;
	[tilespmem:$0x9000] =	vst v63  }
0x3e: {  	_ = 	snop  }
0x3f: {  	[tilespmem:s12], [sflag:$0x1] =	stream.indirect.gather [hbm4b:s2+s9], $0x10, s10, s9, $0xb8;
	[tilespmem:$0x9000] =	vst v63  }
0x40: {  	_ = 	snop  }
0x41: {  	[tilespmem:s14], [sflag:$0x1] =	stream.indirect.gather [hbm4b:s2+s9], $0x10, s13, s9, $0xb8;
	[tilespmem:$0x9000] =	vst v63  }
0x42: {  	_ = 	snop  }
0x43: {  	[tilespmem:s16], [sflag:$0x1] =	stream.indirect.gather [hbm4b:s2+s9], $0x10, s15, s9, $0xb8;
	[tilespmem:$0x9000] =	vst v63  }
0x44: {  	_ =	swait.ge [sflag:s17], $0x800  }
0x45: {  	[sflag:s17] =	ssyncset.done $0x0  }
0x46: {  	[sflag:s17] =	ssyncadd.s32 $0xFFFFF800  }
0x47: {  	_ =	swait.ge [sflag:s17], $0x800  }
0x48: {  	[sflag:s17] =	ssyncset.done $0x0  }
0x49: {  	[sflag:s17] =	ssyncadd.s32 $0xFFFFF800  }
0x4a: {  	_ =	swait.ge [sflag:s17], $0x800  }
0x4b: {  	[sflag:s17] =	ssyncset.done $0x0  }
0x4c: {  	[sflag:s17] =	ssyncadd.s32 $0xFFFFF800  }
0x4d: {  	_ =	swait.ge [sflag:s17], $0x800  }
0x4e: {  	[sflag:s17] =	ssyncset.done $0x0  }
0x4f: {  	[sflag:s17] =	ssyncadd.s32 $0xFFFFF800  }
0x50: {  	_ =	swait.ge [sflag:s17], $0x800  }
0x51: {  	[sflag:s17] =	ssyncset.done $0x0  }
0x52: {  	[sflag:s17] =	ssyncadd.s32 $0xFFFFF800  }
0x53: {  	_ =	swait.ge [sflag:s17], $0x800  }
0x54: {  	[sflag:s17] =	ssyncset.done $0x0  }
0x55: {  	[sflag:s17] =	ssyncadd.s32 $0xFFFFF800  }
0x56: {  	_ =	swait.ge [sflag:s17], $0x800  }
0x57: {  	[sflag:s17] =	ssyncset.done $0x0  }
0x58: {  	[sflag:s17] =	ssyncadd.s32 $0xFFFFF800  }
0x59: {  	_ =	swait.ge [sflag:s17], $0x800  }
0x5a: {  	[sflag:s17] =	ssyncset.done $0x0  }
0x5b: {  	[sflag:s17] =	ssyncadd.s32 $0xFFFFF800  }
0x5c: {  	_ =	swait.ge [sflag:s17], $0x800  }
0x5d: {  	[sflag:s17] =	ssyncset.done $0x0  }
0x5e: {  	[sflag:s17] =	ssyncadd.s32 $0xFFFFF800  }
0x5f: {  	_ =	swait.ge [sflag:s17], $0x800  }
0x60: {  	[sflag:s17] =	ssyncset.done $0x0  }
0x61: {  	[sflag:s17] =	ssyncadd.s32 $0xFFFFF800  }
0x62: {  	_ =	swait.ge [sflag:s17], $0x800  }
0x63: {  	[sflag:s17] =	ssyncset.done $0x0  }
0x64: {  	[sflag:s17] =	ssyncadd.s32 $0xFFFFF800  }
0x65: {  	_ =	swait.ge [sflag:s17], $0x800  }
0x66: {  	[sflag:s17] =	ssyncset.done $0x0  }
0x67: {  	[sflag:s17] =	ssyncadd.s32 $0xFFFFF800  }
0x68: {  	_ =	swait.ge [sflag:s17], $0x800  }
0x69: {  	[sflag:s17] =	ssyncset.done $0x0  }
0x6a: {  	[sflag:s17] =	ssyncadd.s32 $0xFFFFF800  }
0x6b: {  	_ =	swait.ge [sflag:s17], $0x800  }
0x6c: {  	[sflag:s17] =	ssyncset.done $0x0  }
0x6d: {  	[sflag:s17] =	ssyncadd.s32 $0xFFFFF800  }
0x6e: {  	_ =	swait.ge [sflag:s17], $0x800  }
0x6f: {  	[sflag:s17] =	ssyncset.done $0x0  }
0x70: {  	[sflag:s17] =	ssyncadd.s32 $0xFFFFF800  }
0x71: {  	s19 =	sshll.u32 s19, $0x1;
	s18 =	sadd.s32 $0x1, s18;
	_ =	swait.ge [sflag:s17], $0x800  }
0x72: {  	s19 =	sadd.s32 s5, s19;
	p0 =	sne.s32 s18, $0x10;
	[sflag:s17] =	ssyncset.done $0x0  }
.Ltmp1:
0x73: {  	s22 =	simm.s32 $0x0;
	[sflag:s17] =	ssyncadd.s32 $0xFFFFF800;
	(pc) =	sbr.rel @p0 .LBB2_2-.Ltmp1, $4  }
0x74: {  	[hbm4b:s19+s22] =	stream.linear.scatter [tilespmem:s11], [sflag:$0x2], $0x8000, $0x38;
	[tilespmem:$0x9000] =	vst v63  }
0x75: {  	_ =	swait.ge [sflag:s8], $0x8000  }
0x76: {  	[sflag:s8] =	ssyncset.done $0x0  }
0x77: {  	[sflag:s8] =	ssyncadd.s32 $0xFFFF8000  }
0x78: {  	s19 =	rddreg [dreg:$0x5]  }
0x79: {  	s18 =	rddreg [dreg:$0x4];
	s19 =	sadd.s32 $0x1, s19  }
0x7a: {  	p0 =	sne.s32 s19, s18  }
.Ltmp2:
0x7b: {  	_ = 	snop;
	(pc) =	sbr.rel @p0 .LBB2_1-.Ltmp2, $1  }
0x7c: {  	_ =	sdelay $0x3  }
0x7d: {  	_ =	sfence.sel $0x180000  }
0x7e: {  	[bflag:$0x0] =	sbarrier.arrive $0xFFFF  }
0x7f: {  	_ =	strace $0x9000004A  }
0x80: {  	s0 =	stileid.u32;
	[bflag:$0x2] =	sbarrier.arrive $0xFFFF  }
0x81: {  	p0 =	sne.s32 s0, $0x0;
	s0 =	rddreg [dreg:$0x3]  }
0x82: {  	s0 =	sadd.s32 @!p0 $0x100000, s0  }
0x83: {  	[sflag:s0] =	ssyncadd.tile.s32 @!p0 $0x1;
	_ =	shalt  }
.Lfunc_end2:
_tile_overlayer_lowered:
.L_overlay_start_2:
0x84: {  	(tag) =	ssettag $0x2  }
0x85: {  	s0 =	rddreg [dreg:$0x0];
	s2 =	stileid.u32  }
0x86: {  	s1 =	rddreg [dreg:$0x1];
	p0 =	sne.s32 s2, $0x0  }
0x87: {  	s3 =	rddreg [dreg:$0x2];
	[bflag:$0x3] =	sbarrier.arrive $0xFFFF;
	s2 =	simm.s32 @!p0 $0x1C02  }
0x88: {  	[timem:s3], [sflag:s2] =	dma.local @!p0 [hbm:s0], s1  }
0x89: {  	s0 =	simm.s32 @!p0 $0x2  }
0x8a: {  	_ =	swait.ge @!p0 [sflag:s0], s1  }
0x8b: {  	s1 =	ssub.s32 @!p0 $0x0, s1;
	[sflag:s0] =	ssyncset.done @!p0 $0x0  }
0x8c: {  	[sflag:s0] =	ssyncadd.s32 @!p0 s1  }
0x8d: {  	[bflag:$0x3] =	sbarrier.arrive $0xFFFF  }
0x8e: {  	_ =	shalt  }

// kernel: sparse-core-data-format-call.cloned.1.call-start
scs
called_computation_lowered:
.L_overlay_start_0:
0x0: {  	s1 =	sld [smem:$0x3FD9]  }
0x1: {  	s2 =	sld [smem:$0x3FFE];
	_ =	sdelay $0x1  }
0x2: {  	s3 =	srdreg.scid  }
0x3: {  	s0 =	sand.u32 $0x1, s3  }
0x4: {  	s17 =	sshll.u32 s0, $0xA;
	s1 =	sadd.s32 s2, s1  }
0x5: {  	s1 =	sadd.s32 s1, s17  }
0x6: {  	[smem:$0x3FC5] =	sst s1  }
0x7: {  	_ = 	snop  }
0x8: {  	(tm) =	ssettm $0x1  }
0x9: {  	s18 =	sld [smem:$0x3FFB];
	_ =	sdelay $0x3  }
0xa: {  	_ =	strace s18  }
0xb: {  	s1 =	sld [smem:$0x3FFC];
	_ =	sdelay $0x3  }
0xc: {  	_ =	strace s1  }
0xd: {  	s1 =	sld [smem:$0x3FFD];
	_ =	sdelay $0x3  }
0xe: {  	_ =	strace s1  }
0xf: {  	_ =	strace $0x8FFFFFFF  }
0x10: {  	s19 =	sld [smem:$0x3FDB];
	_ =	sdelay $0x1  }
0x11: {  	s20 =	simm.s32 $_scs_section_size  }
0x12: {  	s4 =	simm.s32 $_size__tile_overlayer_lowered;
	s5 =	simm.s32 $_tile_overlayer_lowered  }
0x13: {  	s23 =	simm.s32 $0x1BFF;
	s22 =	sshll.u32 s5, $0x1;
	s1 =	sadd.s32 s20, s19  }
0x14: {  	s6 =	simm.s32 $0x0;
	s21 =	sshll.u32 s4, $0x1;
	s4 =	sadd.s32 s22, s1  }
0x15: {  	[timem:s6], [sflag:s23] =	dma.local [hbm:s4], s21  }
0x16: {  	_ =	swait.ge [sflag:s23], s21  }
0x17: {  	s2 =	ssub.s32 $0x0, s21;
	[sflag:s23] =	ssyncset.done $0x0  }
0x18: {  	[sflag:s23] =	ssyncadd.s32 s2;
	_ =	sdelay $0x1  }
0x19: {  	s24 =	simm.s32 $0x1B8B  }
0x1a: {  	_ =	swait.ge [sflag:s24], $0x1  }
0x1b: {  	[sflag:s24] =	ssyncset.done $0x0  }
0x1c: {  	s26 =	simm.s32 $0x1B8E;
	s25 =	sld [smem:$0x3FFE];
	[sflag:s24] =	ssyncadd.s32 $0xFFFFFFFF  }
0x1d: {  	s27 =	simm.s32 $execute0_lowered;
	[smem:$0x3FD2] =	sst s26  }
0x1e: {  	s4 =	sshll.u32 s27, $0x1;
	_ =	strace $0x8000004C;
	[dreg:$0x1] =	wrdreg $0xFFFFFFFF  }
0x1f: {  	s28 =	simm.s32 $_size_execute0_lowered;
	s1 =	sadd.s32 s1, s4;
	[dreg:$0x0] =	wrdreg $0x0  }
0x20: {  	s4 =	sshll.u32 s28, $0x1;
	[dreg:$0x2] =	wrdreg s1  }
0x21: {  	[dreg:$0x3] =	wrdreg s4  }
0x22: {  	[dreg:$0x4] =	wrdreg $0xC0  }
0x23: {  	_ =	task [dreg:s6], $0x5FFFF  }
0x24: {  	[dreg:$0x1] =	wrdreg $0xFFFFFFFF  }
0x25: {  	[dreg:$0x0] =	wrdreg $0x60  }
0x26: {  	[dreg:$0x2] =	wrdreg s25  }
0x27: {  	[dreg:$0x3] =	wrdreg $0x9  }
0x28: {  	_ =	task.clear_ibuf [dreg:s6], $0x4FFFF;
	_ =	strace $0x9000004C  }
0x29: {  	s29 =	simm.s32 $0x9;
	_ =	strace $0x8000004E  }
0x2a: {  	_ =	swait.ge [sflag:s29], $0x1  }
0x2b: {  	[sflag:s29] =	ssyncadd.s32 $0xFFFFFFFF  }
0x2c: {  	_ =	strace $0x9000004E  }
0x2d: {  	_ =	sfence  }
0x2e: {  	s30 =	sld [smem:$0x0];
	_ =	sdelay $0x2  }
0x2f: {  	s31 =	sshll.u32 s3, $0xD;
	s3 =	sshrl.u32 s3, $0x2  }
0x30: {  	s2 =	sand.u32 $0x4000, s31;
	s1 =	sadd.s32 s3, s30  }
0x31: {  	s0 =	sor.u32 s2, s0;
	s1 =	sshll.u32 s1, $0x11  }
0x32: {  	s0 =	sor.u32 s1, s0  }
0x33: {  	s0 =	sadd.s32 $0x8F2B, s0  }
0x34: {  	[sflag:s0] =	ssyncadd.remote.s32 $0x1  }
0x35: {  	_ =	sfence.sel $0xFFFF  }
0x36: {  	[dreg:$0x0] =	wrdreg $0xFFFFFFFF;
	(pc) =	sbr.abs _section_cstart, $3  }
0x37: {  	[dreg:$0x1] =	wrdreg $0xFFFFFFFF  }
0x38: {  	_ =	task.clear_ibuf [dreg:s6], $0x2FFFF;
	_ =	strace $0x9FFFFFFF  }
0x39: {  	(tm) =	ssettm $0x7FFFFFFF  }
tec
execute0_lowered:
.L_overlay_start_1:
0x0: {  	(tag) =	ssettag $0x1  }
0x1: {  	s0 =	srdreg.scid  }
0x2: {  	s1 =	sshll.u32 s0, $0x4  }
0x3: {  	s4 =	rddreg [dreg:$0x0];
	s0 =	stileid.u32;
	s1 =	sand.u32 $0x10, s1  }
0x4: {  	s7 =	simm.s32 $0x1;
	s8 =	simm.s32 $0x2;
	s2 =	sor.u32 s0, s1  }
0x5: {  	s11 =	simm.s32 $0x0;
	s10 =	simm.s32 $0x0;
	s2 =	sshll.u32 s2, $0x7  }
0x6: {  	s3 =	sadd.s32 $0x200C00, s4;
	s4 =	sadd.s32 $0xC00, s4;
	s6 =	ssub.s32 $0x100000, s2  }
.Ltmp0:
0x7: {  	s1 =	rddreg [dreg:$0x1];
	s5 =	sand.u32 $0xF80, s6;
	(pc) =	sbr.rel .LBB1_1-.Ltmp0, $4  }
0x8: {  	_ =	strace $0x8000004D;
	s9 =	smov.u32 s2;
	p0 =	sne.s32 s5, $0x0  }
0x9: {  	s6 =	sshrl.u32 s6, $0xC;
	s5 =	simm.s32 $0x1;
	s7 =	simm.s32 @!p0 $0x0  }
0xa: {  	[sflag:s5] =	ssyncpa.u1 $0x0;
	p0 =	por $0x0, $0x0;
	s6 =	sadd.s32 s7, s6  }
0xb: {  	[sflag:s8] =	ssyncpa.u1 $0x0;
	s8 =	simm.s32 $0x800000;
	s7 =	sadd.s32 $0x1, s6  }
.LBB1_4:
0xc: {  	[tilespmem:s12+$0xFFFFFFFC ss:$0x81] =	vst.msk $0xffff, v2;
	s14 =	sshll.u32 s11, $0x3  }
0xd: {  	[tilespmem:s12+$0xFFFFFFFD ss:$0x81] =	vst.msk $0xffff, v3;
	s15 =	sand.u32 $0x78, s11;
	s14 =	sand.u32 $0xFFC00, s14  }
0xe: {  	[tilespmem:s12+$0xFFFFFFFE ss:$0x81] =	vst.msk $0xffff, v1;
	s29 =	sand.u32 $0x1E0000, s11;
	s30 =	sand.u32 $0x7, s11;
	s14 =	sor.u32 s15, s14  }
0xf: {  	[tilespmem:s12+$0xFFFFFFFF ss:$0x81] =	vst.msk $0xffff, v4;
	s11 =	sshll.u32 s30, $0x12;
	s15 =	sadd.s32 s4, s29;
	s14 =	sshrl.u32 s14, $0x3  }
0x10: {  	[tilespmem:s12+$0xFFFFFFF9 ss:$0x81] =	vst.msk $0xffff, v0;
	s11 =	sor.u32 $0x400, s11;
	s31 =	sadd.s32 s14, s15  }
0x11: {  	[hbm4b:s31+s11] =	stream.strided.scatter [tilespmem:s13], [sflag:$0x2], $0x800, s8, s11, $0x20;
	[tilespmem:$0x2020] =	vst v63  }
.LBB1_5:
0x12: {  	s13 =	sadd.s32 $0x1000, s9  }
0x13: {  	p2 =	sgt.s32 s13, $0xFFFFF  }
0x14: {  	s13 =	smov.u32 @p2 s2;
	p2 =	sne.s32 s10, s7  }
.Ltmp1:
0x15: {  	p1 =	slt.u32 s10, $0x2;
	(pc) =	sbr.rel @!p2 .LBB1_6-.Ltmp1, $4  }
0x16: {  	s12 =	simm.s32 @!p1 $0x2  }
0x17: {  	s14 =	sadd.s32 $0x1, s10;
	_ =	swait.ge @!p1 [sflag:s12], $0x800  }
0x18: {  	s11 =	smov.u32 s9;
	p0 =	por !p0, !p0;
	[sflag:s12] =	ssyncset.done @!p1 $0x0  }
0x19: {  	s10 =	smov.u32 s14;
	s9 =	smov.u32 s13;
	[sflag:s12] =	ssyncadd.s32 @!p1 $0xFFFFF800  }
.LBB1_1:
0x1a: {  	p1 =	sge.u32 s10, s6  }
0x1b: {  	s31 =	sadd.s32 $0xFFFFFFFF, s10;
	s12 =	sxor.u32 @!p1 $0xFFFFFFFF, s10;
	s13 =	sshll.u32 @!p1 s9, $0x4  }
0x1c: {  	s14 =	simm.s32 @!p1 $0x10;
	s12 =	sshll.u32 @!p1 s12, $0xB;
	s13 =	sand.u32 @!p1 $0xFFFFF0, s13  }
0x1d: {  	s15 =	simm.s32 @!p1 $0x80;
	s12 =	sand.u32 @!p1 $0x800, s12;
	s13 =	sadd.s32 @!p1 s3, s13  }
0x1e: {  	[tilespmem:s12], [sflag:$0x1] =	stream.strided.gather @!p1 [hbm4b:s13+s14], $0x800, s15, s14, $0x38;
	[tilespmem:$0x2020] =	vst v63  }
0x1f: {  	p1 =	sge.u32 s31, s6  }
.Ltmp2:
0x20: {  	_ = 	snop;
	(pc) =	sbr.rel @p1 .LBB1_5-.Ltmp2, $1  }
0x21: {  	_ =	sdelay $0x3  }
0x22: {  	s12 =	simm.s32 $0x1  }
0x23: {  	_ =	swait.ge [sflag:s5], $0x800;
	s12 =	simm.s32 @!p0 $0x0  }
0x24: {  	[sflag:s5] =	ssyncset.done $0x0;
	s13 =	sshll.u32 s12, $0xB  }
0x25: {  	[sflag:s5] =	ssyncadd.s32 $0xFFFFF800;
	s15 =	sor.u32 $0x40, s13  }
0x26: {  	v0 =	vld [tilespmem:s15+$0x30]  }
0x27: {  	s12 =	smul.u32 $0x2040, s12;
	v4 =	vld [tilespmem:s15+$0xFFFFFFD0]  }
0x28: {  	v5 =	vld [tilespmem:s15+$0xFFFFFFE0]  }
0x29: {  	s31 =	sand.u32 $0x1, s10;
	s12 =	sshrl.u32 s12, $0x2;
	v2 =	vld [tilespmem:s15+$0xFFFFFFF0]  }
0x2a: {  	s13 =	smul.u32 $0x2040, s31;
	v3 =	vld [tilespmem:s15+$0x0];
	s12 =	sor.u32 $0x1007, s12  }
0x2b: {  	v1 =	vld [tilespmem:s15+$0x10];
	[tilespmem:s12+$0x0 ss:$0x81] =	vst.msk $0xffff, v0  }
0x2c: {  	s13 =	sshrl.u32 s13, $0x2;
	[tilespmem:s12+$0xFFFFFFFA ss:$0x81] =	vst.msk $0xffff, v4;
	v4 =	vld [tilespmem:s15+$0x20]  }
0x2d: {  	s14 =	simm.s32 $0x0;
	s13 =	sor.u32 $0x1000, s13;
	v0 =	vld [tilespmem:s15+$0xFFFFFFC0];
	[tilespmem:s12+$0xFFFFFFFB ss:$0x81] =	vst.msk $0xffff, v5;
	s15 =	sadd.s32 $0x80, s15  }
.LBB1_3:
0x2e: {  	v5 =	vld [tilespmem:s15+$0x30];
	s14 =	sadd.s32 $0x8, s14;
	[tilespmem:s12+$0xFFFFFFFC ss:$0x81] =	vst.msk $0xffff, v2  }
0x2f: {  	v6 =	vld [tilespmem:s15+$0xFFFFFFD0];
	p1 =	slt.u32 s14, $0x78;
	[tilespmem:s12+$0xFFFFFFFD ss:$0x81] =	vst.msk $0xffff, v3  }
0x30: {  	v7 =	vld [tilespmem:s15+$0xFFFFFFE0];
	[tilespmem:s12+$0xFFFFFFFE ss:$0x81] =	vst.msk $0xffff, v1  }
.Ltmp3:
0x31: {  	v2 =	vld [tilespmem:s15+$0xFFFFFFF0];
	[tilespmem:s12+$0xFFFFFFFF ss:$0x81] =	vst.msk $0xffff, v4;
	(pc) =	sbr.rel @p1 .LBB1_3-.Ltmp3, $4  }
0x32: {  	v3 =	vld [tilespmem:s15+$0x0];
	[tilespmem:s12+$0xFFFFFFF9 ss:$0x81] =	vst.msk $0xffff, v0;
	s12 =	sadd.s32 $0x8, s12  }
0x33: {  	v1 =	vld [tilespmem:s15+$0x10];
	[tilespmem:s12+$0x0 ss:$0x81] =	vst.msk $0xffff, v5  }
0x34: {  	[tilespmem:s12+$0xFFFFFFFA ss:$0x81] =	vst.msk $0xffff, v6;
	v4 =	vld [tilespmem:s15+$0x20]  }
0x35: {  	v0 =	vld [tilespmem:s15+$0xFFFFFFC0];
	[tilespmem:s12+$0xFFFFFFFB ss:$0x81] =	vst.msk $0xffff, v7;
	s15 =	sadd.s32 $0x80, s15  }
.Ltmp4:
0x36: {  	_ = 	snop;
	(pc) =	sbr.rel .LBB1_4-.Ltmp4, $1  }
0x37: {  	_ =	sdelay $0x3  }
.LBB1_6:
0x38: {  	_ =	sfence.sel $0x180000  }
0x39: {  	s2 =	simm.s32 $0x1;
	[bflag:$0x0] =	sbarrier.arrive $0xFFFF  }
0x3a: {  	s31 =	simm.s32 $0x2;
	[sflag:s2] =	ssyncpa.u1 $0x1  }
0x3b: {  	[sflag:s31] =	ssyncpa.u1 $0x1  }
0x3c: {  	p0 =	sne.s32 s0, $0x0;
	_ =	strace $0x9000004D  }
0x3d: {  	s0 =	sadd.s32 @!p0 $0x100000, s1;
	[bflag:$0x2] =	sbarrier.arrive $0xFFFF  }
0x3e: {  	[sflag:s0] =	ssyncadd.tile.s32 @!p0 $0x1;
	_ =	shalt  }
.Lfunc_end1:
_tile_overlayer_lowered:
.L_overlay_start_2:
0x3f: {  	(tag) =	ssettag $0x2  }
0x40: {  	s0 =	rddreg [dreg:$0x0];
	s2 =	stileid.u32  }
0x41: {  	s1 =	rddreg [dreg:$0x1];
	p0 =	sne.s32 s2, $0x0  }
0x42: {  	s3 =	rddreg [dreg:$0x2];
	[bflag:$0x3] =	sbarrier.arrive $0xFFFF;
	s2 =	simm.s32 @!p0 $0x1C01  }
0x43: {  	[timem:s3], [sflag:s2] =	dma.local @!p0 [hbm:s0], s1  }
0x44: {  	s0 =	simm.s32 @!p0 $0x1  }
0x45: {  	_ =	swait.ge @!p0 [sflag:s0], s1  }
0x46: {  	s1 =	ssub.s32 @!p0 $0x0, s1;
	[sflag:s0] =	ssyncset.done @!p0 $0x0  }
0x47: {  	[sflag:s0] =	ssyncadd.s32 @!p0 s1  }
0x48: {  	[bflag:$0x3] =	sbarrier.arrive $0xFFFF  }
0x49: {  	_ =	shalt  }

</sc_bundles>
